<compile_context>
chip_gen: v7x
topology: tpu7x:2x2x1
jax: 0.10.2.dev20260603
libtpu: 0.0.44.dev20260713+nightly
codegen_flags: <defaults>
</compile_context>

<pallas_src>
import functools

import jax
import jax.numpy as jnp
from jax import lax
from jax.experimental import pallas as pl
from jax.experimental.pallas import tpu as pltpu
from jax.experimental.pallas import tpu_sc as plsc

N_NODE = 10000
D = 128
N_EDGE = 320000
N_TILES = 16
EDGES_PER_TILE = 20480
E_PAD = EDGES_PER_TILE * N_TILES
CHUNK = 128
N_CHUNKS = EDGES_PER_TILE // CHUNK
ACC_ROWS = 10240
ROWS_PER_TILE = ACC_ROWS // N_TILES
CNT_ROWS = ACC_ROWS // D
N_BLOCKS = N_CHUNKS // 8
DUMMY_DST = 10100


def _matmul(x, w):
    def body(x_ref, w_ref, o_ref):
        o_ref[...] = jnp.dot(x_ref[...], w_ref[...],
                             preferred_element_type=jnp.float32)

    return pl.pallas_call(
        body,
        grid=(5,),
        in_specs=[
            pl.BlockSpec((2000, D), lambda i: (i, 0)),
            pl.BlockSpec((D, D), lambda i: (0, 0)),
        ],
        out_specs=pl.BlockSpec((2000, D), lambda i: (i, 0)),
        out_shape=jax.ShapeDtypeStruct((N_NODE, D), jnp.float32),
    )(x, w)


def _combine(x, w, sums, cnt_col):

    def body(x_ref, w_ref, s_ref, c_ref, o_ref):
        t = jnp.dot(x_ref[...], w_ref[...], preferred_element_type=jnp.float32)
        inv = 1.0 / jnp.maximum(c_ref[...], 1.0)
        o_ref[...] = jnp.maximum(t + s_ref[...] * inv, 0.0)

    return pl.pallas_call(
        body,
        grid=(5,),
        in_specs=[
            pl.BlockSpec((2000, D), lambda i: (i, 0)),
            pl.BlockSpec((D, D), lambda i: (0, 0)),
            pl.BlockSpec((2000, D), lambda i: (i, 0)),
            pl.BlockSpec((2000, 1), lambda i: (i, 0)),
        ],
        out_specs=pl.BlockSpec((2000, D), lambda i: (i, 0)),
        out_shape=jax.ShapeDtypeStruct((N_NODE, D), jnp.float32),
    )(x, w, sums, cnt_col)


def _sc_body(srcx_u2i, srcx_i2u, u_src, u_dst, i_src, i_dst,
             out_item, out_item_cnt, out_user, out_user_cnt,
             idx_sb, idx_db, rows2, hist, tmpb, part, acc, cnt_stage,
             sem_g, sem_s, sem_i):
    c = lax.axis_index("c")
    s = lax.axis_index("s")

    zero = jnp.zeros((16,), jnp.float32)

    def zrow(r, carry):
        for k in range(D // 16):
            rows2[0, r, pl.ds(k * 16, 16)] = zero
        return carry

    lax.fori_loop(0, CHUNK, zrow, 0)

    def zhist(r, carry):
        hist[pl.ds(r * 16, 16)] = zero
        return carry

    lax.fori_loop(0, ACC_ROWS // 16, zhist, 0)

    row0 = s * ROWS_PER_TILE
    for b in range(ROWS_PER_TILE // CHUNK):
        pltpu.sync_copy(rows2.at[0], acc.at[pl.ds(row0 + b * CHUNK, CHUNK)])

    plsc.subcore_barrier()

    ones = jnp.ones((16,), jnp.float32)
    row0e = s * N_CHUNKS

    def process(src2d, dst2d, srcx):
        pltpu.sync_copy(src2d.at[pl.ds(row0e, 8)], idx_sb.at[0])
        pltpu.sync_copy(dst2d.at[pl.ds(row0e, 8)], idx_db.at[0])
        pltpu.async_copy(src2d.at[pl.ds(row0e + 8, 8)], idx_sb.at[1], sem_i)
        pltpu.async_copy(dst2d.at[pl.ds(row0e + 8, 8)], idx_db.at[1], sem_i)
        pltpu.async_copy(srcx.at[idx_sb.at[0, 0]], rows2.at[0], sem_g)

        def step(i, carry):
            blk = lax.shift_right_logical(i, 3)
            slot = lax.bitwise_and(blk, 1)
            buf = lax.bitwise_and(i, 1)
            r = lax.bitwise_and(i, 7)

            @pl.when(jnp.logical_and(r == 0,
                                     jnp.logical_and(blk >= 1,
                                                     blk + 1 < N_BLOCKS)))
            def _():
                off = row0e + (blk + 1) * 8
                pltpu.async_copy(src2d.at[pl.ds(off, 8)], idx_sb.at[1 - slot],
                                 sem_i)
                pltpu.async_copy(dst2d.at[pl.ds(off, 8)], idx_db.at[1 - slot],
                                 sem_i)

            for k in range(CHUNK // 16):
                d = idx_db[slot, r, pl.ds(k * 16, 16)]
                plsc.addupdate_scatter(hist, [d], ones)

            pltpu.make_async_copy(srcx.at[pl.ds(0, CHUNK)], rows2.at[0],
                                  sem_g).wait()
            pltpu.async_copy(rows2.at[buf], acc.at[idx_db.at[slot, r]], sem_s,
                             add=True)
            nxt = i + 1

            @pl.when(nxt < N_CHUNKS)
            def _():
                nblk = lax.shift_right_logical(nxt, 3)
                nslot = lax.bitwise_and(nblk, 1)
                nr = lax.bitwise_and(nxt, 7)

                @pl.when(nr == 0)
                def _():
                    pltpu.make_async_copy(src2d.at[pl.ds(0, 8)], idx_sb.at[0],
                                          sem_i).wait()
                    pltpu.make_async_copy(dst2d.at[pl.ds(0, 8)], idx_db.at[0],
                                          sem_i).wait()

                pltpu.async_copy(srcx.at[idx_sb.at[nslot, nr]],
                                 rows2.at[lax.bitwise_and(nxt, 1)], sem_g)

            pltpu.make_async_copy(rows2.at[0], acc.at[pl.ds(0, CHUNK)],
                                  sem_s).wait()
            return carry

        lax.fori_loop(0, N_CHUNKS, step, 0)

    @pl.when(c == 0)
    def _():
        process(u_src, u_dst, srcx_u2i)

    @pl.when(c == 1)
    def _():
        process(i_src, i_dst, srcx_i2u)

    pltpu.sync_copy(hist, cnt_stage.at[c, s])
    plsc.subcore_barrier()

    def red(j, carry):
        pltpu.sync_copy(cnt_stage.at[c, j, pl.ds(row0, ROWS_PER_TILE)], tmpb)

        def addk(k, carry2):
            part[pl.ds(k * 16, 16)] = part[pl.ds(k * 16, 16)] + tmpb[pl.ds(k * 16, 16)]
            return carry2

        lax.fori_loop(0, ROWS_PER_TILE // 16, addk, 0)
        return carry

    def zpart(k, carry):
        part[pl.ds(k * 16, 16)] = zero
        return carry

    lax.fori_loop(0, ROWS_PER_TILE // 16, zpart, 0)
    lax.fori_loop(0, N_TILES, red, 0)

    @pl.when(c == 0)
    def _():
        pltpu.sync_copy(acc.at[pl.ds(row0, ROWS_PER_TILE)],
                        out_item.at[pl.ds(row0, ROWS_PER_TILE)])
        pltpu.sync_copy(part, out_item_cnt.at[pl.ds(row0, ROWS_PER_TILE)])

    @pl.when(c == 1)
    def _():
        pltpu.sync_copy(acc.at[pl.ds(row0, ROWS_PER_TILE)],
                        out_user.at[pl.ds(row0, ROWS_PER_TILE)])
        pltpu.sync_copy(part, out_user_cnt.at[pl.ds(row0, ROWS_PER_TILE)])


_sc_scatter = functools.partial(
    pl.kernel,
    mesh=plsc.VectorSubcoreMesh(core_axis_name="c", subcore_axis_name="s"),
    compiler_params=pltpu.CompilerParams(needs_layout_passes=False),
    out_type=[
        jax.ShapeDtypeStruct((ACC_ROWS, D), jnp.float32),
        jax.ShapeDtypeStruct((ACC_ROWS,), jnp.float32),
        jax.ShapeDtypeStruct((ACC_ROWS, D), jnp.float32),
        jax.ShapeDtypeStruct((ACC_ROWS,), jnp.float32),
    ],
    scratch_types=[
        pltpu.VMEM((2, 8, CHUNK), jnp.int32),
        pltpu.VMEM((2, 8, CHUNK), jnp.int32),
        pltpu.VMEM((2, CHUNK, D), jnp.float32),
        pltpu.VMEM((ACC_ROWS,), jnp.float32),
        pltpu.VMEM((ROWS_PER_TILE,), jnp.float32),
        pltpu.VMEM((ROWS_PER_TILE,), jnp.float32),
        pltpu.VMEM_SHARED((ACC_ROWS, D), jnp.float32),
        pltpu.HBM((2, N_TILES, ACC_ROWS), jnp.float32),
        pltpu.SemaphoreType.DMA,
        pltpu.SemaphoreType.DMA,
        pltpu.SemaphoreType.DMA,
    ],
)(_sc_body)


def _pad_edges(ei):
    src = ei[0].astype(jnp.int32)
    dst = ei[1].astype(jnp.int32)
    pad = E_PAD - N_EDGE
    src = jnp.concatenate([src, jnp.zeros((pad,), jnp.int32)])
    dst = jnp.concatenate([dst, jnp.full((pad,), DUMMY_DST, jnp.int32)])
    return src.reshape(E_PAD // CHUNK, CHUNK), dst.reshape(E_PAD // CHUNK, CHUNK)


def _cnt_col(cnt):
    return cnt[:N_NODE].reshape(N_NODE, 1)


def kernel(x_user, x_item, edge_index_u2i, edge_index_i2u, index,
           W_u2i_src, W_u2i_tgt, W_i2u_src, W_i2u_tgt):
    del index
    srcx_u2i = _matmul(x_user, W_u2i_src)
    srcx_i2u = _matmul(x_item, W_i2u_src)
    u_src, u_dst = _pad_edges(edge_index_u2i)
    i_src, i_dst = _pad_edges(edge_index_i2u)
    item_sums, item_cnt, user_sums, user_cnt = _sc_scatter(
        srcx_u2i, srcx_i2u, u_src, u_dst, i_src, i_dst)
    item_out = _combine(x_item, W_u2i_tgt, item_sums[:N_NODE], _cnt_col(item_cnt))
    user_out = _combine(x_user, W_i2u_tgt, user_sums[:N_NODE], _cnt_col(user_cnt))
    return user_out, item_out

# --- scband reference (transcript-rebuilt; emitter-appended) ---
"""Pipeline reference for scband-my-hetero-conv-59854664237663 (READ-ONLY COPY).

The authoritative reference and input builder live on the scoring server;
editing this copy changes nothing except your own understanding.
"""

import jax, jax.numpy as jnp
import numpy as np

N_USER = 10000
N_ITEM = 10000
D_FEAT = 128
D_OUT = 128
N_EDGE = 320000


def _glorot(key, fan_in, fan_out):
    limit = float(np.sqrt(6.0 / (fan_in + fan_out)))
    return jax.random.uniform(key, (fan_in, fan_out), dtype=jnp.float32, minval=-limit, maxval=limit)


def setup_inputs(seed: int = 0) -> dict:
    key = jax.random.key(seed)
    ks = jax.random.split(key, 8)
    x_user = jax.random.normal(ks[0], (N_USER, D_FEAT), dtype=jnp.float32)
    x_item = jax.random.normal(ks[1], (N_ITEM, D_FEAT), dtype=jnp.float32)
    edge_index_u2i = jax.random.randint(ks[2], (2, N_EDGE), 0, N_USER, dtype=jnp.int64) if jax.config.jax_enable_x64 else jax.random.randint(ks[2], (2, N_EDGE), 0, N_USER).astype(jnp.int32)
    edge_index_i2u = jax.random.randint(ks[3], (2, N_EDGE), 0, N_ITEM).astype(edge_index_u2i.dtype)
    W_u2i_src = _glorot(ks[4], D_FEAT, D_OUT)
    W_u2i_tgt = _glorot(ks[5], D_FEAT, D_OUT)
    W_i2u_src = _glorot(ks[6], D_FEAT, D_OUT)
    W_i2u_tgt = _glorot(ks[7], D_FEAT, D_OUT)
    return {
        "x_user": x_user,
        "x_item": x_item,
        "edge_index_u2i": edge_index_u2i,
        "edge_index_i2u": edge_index_i2u,
        "index": 0,
        "W_u2i_src": W_u2i_src,
        "W_u2i_tgt": W_u2i_tgt,
        "W_i2u_src": W_i2u_src,
        "W_i2u_tgt": W_i2u_tgt,
    }


def _scatter_mean(msgs, idx, num_segments):
    # torch_scatter scatter(..., reduce='mean') into a zero-initialized out buffer:
    # per-segment mean, zeros where a segment receives no messages.
    sums = jax.ops.segment_sum(msgs, idx, num_segments=num_segments)
    cnt = jax.ops.segment_sum(jnp.ones((msgs.shape[0],), dtype=msgs.dtype), idx, num_segments=num_segments)
    return sums / jnp.maximum(cnt, 1.0)[:, None]


def reference(x_user, x_item, edge_index_u2i, edge_index_i2u, index, W_u2i_src, W_u2i_tgt, W_i2u_src, W_i2u_tgt):
    # edge type ('user','to','item')
    src_x = x_user @ W_u2i_src          # Linear(source) -- bias=False
    tgt_x = x_item @ W_u2i_tgt          # Linear(target)
    msgs = jnp.take(src_x, edge_index_u2i[0], axis=0)   # gather source embeddings per edge
    item_acc = tgt_x + _scatter_mean(msgs, edge_index_u2i[1], N_ITEM)

    # edge type ('item','to','user')
    src_x2 = x_item @ W_i2u_src
    tgt_x2 = x_user @ W_i2u_tgt
    msgs2 = jnp.take(src_x2, edge_index_i2u[0], axis=0)
    user_acc = tgt_x2 + _scatter_mean(msgs2, edge_index_i2u[1], N_USER)

    # div[target] == 1 for each node type here (one incoming edge type each), then relu
    user_out = jax.nn.relu(user_acc / 1.0)
    item_out = jax.nn.relu(item_acc / 1.0)
    return user_out, item_out

if __name__ == "__main__":
    import jax
    _d = setup_inputs()
    print(jax.jit(kernel)(*tuple(_d.values())))

</pallas_src>

<mosaic_0001>
#map = affine_map<(d0, d1) -> (0, 0)>
#map1 = affine_map<(d0, d1) -> (0)>
module attributes {stable_mosaic.version = 14 : i64} {
  func.func @_sc_body(%arg0: i32, %arg1: i32, %arg2: memref<10000x128xf32, #tpu.memory_space<hbm>>, %arg3: memref<10000x128xf32, #tpu.memory_space<hbm>>, %arg4: memref<2560x128xi32, #tpu.memory_space<hbm>>, %arg5: memref<2560x128xi32, #tpu.memory_space<hbm>>, %arg6: memref<2560x128xi32, #tpu.memory_space<hbm>>, %arg7: memref<2560x128xi32, #tpu.memory_space<hbm>>, %arg8: memref<10240x128xf32, #tpu.memory_space<hbm>>, %arg9: memref<10240xf32, #tpu.memory_space<hbm>>, %arg10: memref<10240x128xf32, #tpu.memory_space<hbm>>, %arg11: memref<10240xf32, #tpu.memory_space<hbm>>, %arg12: memref<2x8x128xi32, #tpu.memory_space<vmem>>, %arg13: memref<2x8x128xi32, #tpu.memory_space<vmem>>, %arg14: memref<2x128x128xf32, #tpu.memory_space<vmem>>, %arg15: memref<10240xf32, #tpu.memory_space<vmem>>, %arg16: memref<640xf32, #tpu.memory_space<vmem>>, %arg17: memref<640xf32, #tpu.memory_space<vmem>>, %arg18: memref<10240x128xf32, #tpu.memory_space<vmem_shared>>, %arg19: memref<2x16x10240xf32, #tpu.memory_space<hbm>>, %arg20: memref<!tpu.dma_semaphore, #tpu.memory_space<semaphore_mem>>, %arg21: memref<!tpu.dma_semaphore, #tpu.memory_space<semaphore_mem>>, %arg22: memref<!tpu.dma_semaphore, #tpu.memory_space<semaphore_mem>>) attributes {dimension_semantics = [#tpu.dimension_semantics<core_parallel>, #tpu.dimension_semantics<subcore_parallel>], iteration_bounds = array<i64: 2, 16>, scalar_prefetch = 0 : i64, scratch_operands = 11 : i64, tpu.core_type = #tpu.core_type<sc_vector_subcore>, window_params = [{transform_indices = #map}, {transform_indices = #map}, {transform_indices = #map}, {transform_indices = #map}, {transform_indices = #map}, {transform_indices = #map}, {transform_indices = #map}, {transform_indices = #map1}, {transform_indices = #map}, {transform_indices = #map1}]} {
    %broadcast_in_dim3A = arith.constant 0.000000e+00 : f32
    %broadcast_in_dim3A_0 = vector.broadcast %broadcast_in_dim3A : f32 to vector<16xf32>
    %scan3A = arith.constant 0 : i32
    %scan3A_1 = arith.constant 0 : i32
    %scan3A_2 = arith.constant 128 : i32
    %scan3A_3 = arith.addi %scan3A_1, %scan3A_2 : i32
    %scan3A_4 = arith.constant 1 : i32
    scf.for %scan3A_60 = %scan3A_1 to %scan3A_3 step %scan3A_4  : i32 {
      %swap3A = arith.constant 0 : i32
      %swap3A_61 = arith.index_cast %swap3A : i32 to index
      %swap3A_62 = arith.index_cast %scan3A_60 : i32 to index
      %swap3A_63 = arith.constant 0 : index
      %swap3A_64 = tpu.vector_load %arg14[%swap3A_61, %swap3A_62, %swap3A_63] {strides = array<i32>} : memref<2x128x128xf32, #tpu.memory_space<vmem>>, vector<16xf32>,
      tpu.vector_store %arg14[%swap3A_61, %swap3A_62, %swap3A_63], %broadcast_in_dim3A_0 {strides = array<i32>} : memref<2x128x128xf32, #tpu.memory_space<vmem>>, vector<16xf32>,
      %swap3A_65 = arith.constant 0 : i32
      %swap3A_66 = arith.index_cast %swap3A_65 : i32 to index
      %swap3A_67 = arith.index_cast %scan3A_60 : i32 to index
      %swap3A_68 = arith.constant 16 : index
      %swap3A_69 = tpu.vector_load %arg14[%swap3A_66, %swap3A_67, %swap3A_68] {strides = array<i32>} : memref<2x128x128xf32, #tpu.memory_space<vmem>>, vector<16xf32>,
      tpu.vector_store %arg14[%swap3A_66, %swap3A_67, %swap3A_68], %broadcast_in_dim3A_0 {strides = array<i32>} : memref<2x128x128xf32, #tpu.memory_space<vmem>>, vector<16xf32>,
      %swap3A_70 = arith.constant 0 : i32
      %swap3A_71 = arith.index_cast %swap3A_70 : i32 to index
      %swap3A_72 = arith.index_cast %scan3A_60 : i32 to index
      %swap3A_73 = arith.constant 32 : index
      %swap3A_74 = tpu.vector_load %arg14[%swap3A_71, %swap3A_72, %swap3A_73] {strides = array<i32>} : memref<2x128x128xf32, #tpu.memory_space<vmem>>, vector<16xf32>,
      tpu.vector_store %arg14[%swap3A_71, %swap3A_72, %swap3A_73], %broadcast_in_dim3A_0 {strides = array<i32>} : memref<2x128x128xf32, #tpu.memory_space<vmem>>, vector<16xf32>,
      %swap3A_75 = arith.constant 0 : i32
      %swap3A_76 = arith.index_cast %swap3A_75 : i32 to index
      %swap3A_77 = arith.index_cast %scan3A_60 : i32 to index
      %swap3A_78 = arith.constant 48 : index
      %swap3A_79 = tpu.vector_load %arg14[%swap3A_76, %swap3A_77, %swap3A_78] {strides = array<i32>} : memref<2x128x128xf32, #tpu.memory_space<vmem>>, vector<16xf32>,
      tpu.vector_store %arg14[%swap3A_76, %swap3A_77, %swap3A_78], %broadcast_in_dim3A_0 {strides = array<i32>} : memref<2x128x128xf32, #tpu.memory_space<vmem>>, vector<16xf32>,
      %swap3A_80 = arith.constant 0 : i32
      %swap3A_81 = arith.index_cast %swap3A_80 : i32 to index
      %swap3A_82 = arith.index_cast %scan3A_60 : i32 to index
      %swap3A_83 = arith.constant 64 : index
      %swap3A_84 = tpu.vector_load %arg14[%swap3A_81, %swap3A_82, %swap3A_83] {strides = array<i32>} : memref<2x128x128xf32, #tpu.memory_space<vmem>>, vector<16xf32>,
      tpu.vector_store %arg14[%swap3A_81, %swap3A_82, %swap3A_83], %broadcast_in_dim3A_0 {strides = array<i32>} : memref<2x128x128xf32, #tpu.memory_space<vmem>>, vector<16xf32>,
      %swap3A_85 = arith.constant 0 : i32
      %swap3A_86 = arith.index_cast %swap3A_85 : i32 to index
      %swap3A_87 = arith.index_cast %scan3A_60 : i32 to index
      %swap3A_88 = arith.constant 80 : index
      %swap3A_89 = tpu.vector_load %arg14[%swap3A_86, %swap3A_87, %swap3A_88] {strides = array<i32>} : memref<2x128x128xf32, #tpu.memory_space<vmem>>, vector<16xf32>,
      tpu.vector_store %arg14[%swap3A_86, %swap3A_87, %swap3A_88], %broadcast_in_dim3A_0 {strides = array<i32>} : memref<2x128x128xf32, #tpu.memory_space<vmem>>, vector<16xf32>,
      %swap3A_90 = arith.constant 0 : i32
      %swap3A_91 = arith.index_cast %swap3A_90 : i32 to index
      %swap3A_92 = arith.index_cast %scan3A_60 : i32 to index
      %swap3A_93 = arith.constant 96 : index
      %swap3A_94 = tpu.vector_load %arg14[%swap3A_91, %swap3A_92, %swap3A_93] {strides = array<i32>} : memref<2x128x128xf32, #tpu.memory_space<vmem>>, vector<16xf32>,
      tpu.vector_store %arg14[%swap3A_91, %swap3A_92, %swap3A_93], %broadcast_in_dim3A_0 {strides = array<i32>} : memref<2x128x128xf32, #tpu.memory_space<vmem>>, vector<16xf32>,
      %swap3A_95 = arith.constant 0 : i32
      %swap3A_96 = arith.index_cast %swap3A_95 : i32 to index
      %swap3A_97 = arith.index_cast %scan3A_60 : i32 to index
      %swap3A_98 = arith.constant 112 : index
      %swap3A_99 = tpu.vector_load %arg14[%swap3A_96, %swap3A_97, %swap3A_98] {strides = array<i32>} : memref<2x128x128xf32, #tpu.memory_space<vmem>>, vector<16xf32>,
      tpu.vector_store %arg14[%swap3A_96, %swap3A_97, %swap3A_98], %broadcast_in_dim3A_0 {strides = array<i32>} : memref<2x128x128xf32, #tpu.memory_space<vmem>>, vector<16xf32>,
    }
    %scan3A_5 = arith.constant 128 : i32
    %scan3A_6 = arith.constant 0 : i32
    %scan3A_7 = arith.constant 0 : i32
    %scan3A_8 = arith.constant 640 : i32
    %scan3A_9 = arith.addi %scan3A_7, %scan3A_8 : i32
    %scan3A_10 = arith.constant 1 : i32
    scf.for %scan3A_60 = %scan3A_7 to %scan3A_9 step %scan3A_10  : i32 {
      %mul3A_61 = arith.constant 16 : i32
      %mul3A_62 = arith.muli %scan3A_60, %mul3A_61 : i32
      %swap3A = arith.index_cast %mul3A_62 : i32 to index
      %swap3A_63 = tpu.vector_load %arg15[%swap3A] {strides = array<i32>} : memref<10240xf32, #tpu.memory_space<vmem>>, vector<16xf32>,
      tpu.vector_store %arg15[%swap3A], %broadcast_in_dim3A_0 {strides = array<i32>} : memref<10240xf32, #tpu.memory_space<vmem>>, vector<16xf32>,
    }
    %scan3A_11 = arith.constant 640 : i32
    %mul3A = arith.constant 640 : i32
    %mul3A_12 = arith.muli %arg1, %mul3A : i32
    %add3A = arith.constant 0 : i32
    %add3A_13 = arith.addi %mul3A_12, %add3A : i32
    %run_scoped3A = arith.constant 0 : i32
    "tpu.region"() ({
      %run_scoped3A_60 = tpu.sem_alloc : memref<!tpu.dma_semaphore, #tpu.memory_space<semaphore_mem>>
      %dma_start3A = arith.constant 0 : i32
      %dma_start3A_61 = arith.constant 0 : i32
      %dma_start3A_62 = tpu.memref_slice %arg14[%run_scoped3A, %dma_start3A, %dma_start3A_61] : memref<2x128x128xf32, #tpu.memory_space<vmem>> -> memref<1x128x128xf32, #tpu.memory_space<vmem>>
      %dma_start3A_63 = tpu.memref_squeeze %dma_start3A_62 : memref<1x128x128xf32, #tpu.memory_space<vmem>> -> memref<128x128xf32, #tpu.memory_space<vmem>>
      %dma_start3A_64 = arith.constant 0 : i32
      %dma_start3A_65 = tpu.memref_slice %arg18[%add3A_13, %dma_start3A_64] : memref<10240x128xf32, #tpu.memory_space<vmem_shared>> -> memref<128x128xf32, #tpu.memory_space<vmem_shared>>
      %dma_start3A_66 = arith.constant 0 : i32
      %dma_start3A_67 = tpu.memref_slice %arg18[%add3A_13, %dma_start3A_66] : memref<10240x128xf32, #tpu.memory_space<vmem_shared>> -> memref<128x128xf32, #tpu.memory_space<vmem_shared>>
      %dma_start3A_68 = arith.constant 0 : i32
      %dma_start3A_69 = arith.constant 0 : i32
      %dma_start3A_70 = tpu.memref_slice %arg14[%run_scoped3A, %dma_start3A_68, %dma_start3A_69] : memref<2x128x128xf32, #tpu.memory_space<vmem>> -> memref<1x128x128xf32, #tpu.memory_space<vmem>>
      %dma_start3A_71 = tpu.memref_squeeze %dma_start3A_70 : memref<1x128x128xf32, #tpu.memory_space<vmem>> -> memref<128x128xf32, #tpu.memory_space<vmem>>
      tpu.enqueue_dma source(%dma_start3A_71 : memref<128x128xf32, #tpu.memory_space<vmem>>) target(%dma_start3A_67 : memref<128x128xf32, #tpu.memory_space<vmem_shared>>) target_semaphore(%run_scoped3A_60 : memref<!tpu.dma_semaphore, #tpu.memory_space<semaphore_mem>>)
      %dma_wait3A = arith.constant 0 : i32
      %dma_wait3A_72 = arith.constant 0 : i32
      %dma_wait3A_73 = tpu.memref_slice %arg14[%run_scoped3A, %dma_wait3A, %dma_wait3A_72] : memref<2x128x128xf32, #tpu.memory_space<vmem>> -> memref<1x128x128xf32, #tpu.memory_space<vmem>>
      %dma_wait3A_74 = tpu.memref_squeeze %dma_wait3A_73 : memref<1x128x128xf32, #tpu.memory_space<vmem>> -> memref<128x128xf32, #tpu.memory_space<vmem>>
      %dma_wait3A_75 = arith.constant 0 : i32
      %dma_wait3A_76 = tpu.memref_slice %arg18[%add3A_13, %dma_wait3A_75] : memref<10240x128xf32, #tpu.memory_space<vmem_shared>> -> memref<128x128xf32, #tpu.memory_space<vmem_shared>>
      %dma_wait3A_77 = arith.constant 0 : i32
      %dma_wait3A_78 = tpu.memref_slice %arg18[%add3A_13, %dma_wait3A_77] : memref<10240x128xf32, #tpu.memory_space<vmem_shared>> -> memref<128x128xf32, #tpu.memory_space<vmem_shared>>
      %dma_wait3A_79 = arith.constant 0 : i32
      %dma_wait3A_80 = arith.constant 0 : i32
      %dma_wait3A_81 = tpu.memref_slice %arg14[%run_scoped3A, %dma_wait3A_79, %dma_wait3A_80] : memref<2x128x128xf32, #tpu.memory_space<vmem>> -> memref<1x128x128xf32, #tpu.memory_space<vmem>>
      %dma_wait3A_82 = tpu.memref_squeeze %dma_wait3A_81 : memref<1x128x128xf32, #tpu.memory_space<vmem>> -> memref<128x128xf32, #tpu.memory_space<vmem>>
      tpu.wait_dma2 semaphore(%run_scoped3A_60 : memref<!tpu.dma_semaphore, #tpu.memory_space<semaphore_mem>>) src(%dma_wait3A_82 : memref<128x128xf32, #tpu.memory_space<vmem>>) dst(%dma_wait3A_78 : memref<128x128xf32, #tpu.memory_space<vmem_shared>>)
      tpu.yield
    }) : () -> ()
    %add3A_14 = arith.constant 128 : i32
    %add3A_15 = arith.addi %mul3A_12, %add3A_14 : i32
    %run_scoped3A_16 = arith.constant 0 : i32
    "tpu.region"() ({
      %run_scoped3A_60 = tpu.sem_alloc : memref<!tpu.dma_semaphore, #tpu.memory_space<semaphore_mem>>
      %dma_start3A = arith.constant 0 : i32
      %dma_start3A_61 = arith.constant 0 : i32
      %dma_start3A_62 = tpu.memref_slice %arg14[%run_scoped3A_16, %dma_start3A, %dma_start3A_61] : memref<2x128x128xf32, #tpu.memory_space<vmem>> -> memref<1x128x128xf32, #tpu.memory_space<vmem>>
      %dma_start3A_63 = tpu.memref_squeeze %dma_start3A_62 : memref<1x128x128xf32, #tpu.memory_space<vmem>> -> memref<128x128xf32, #tpu.memory_space<vmem>>
      %dma_start3A_64 = arith.constant 0 : i32
      %dma_start3A_65 = tpu.memref_slice %arg18[%add3A_15, %dma_start3A_64] : memref<10240x128xf32, #tpu.memory_space<vmem_shared>> -> memref<128x128xf32, #tpu.memory_space<vmem_shared>>
      %dma_start3A_66 = arith.constant 0 : i32
      %dma_start3A_67 = tpu.memref_slice %arg18[%add3A_15, %dma_start3A_66] : memref<10240x128xf32, #tpu.memory_space<vmem_shared>> -> memref<128x128xf32, #tpu.memory_space<vmem_shared>>
      %dma_start3A_68 = arith.constant 0 : i32
      %dma_start3A_69 = arith.constant 0 : i32
      %dma_start3A_70 = tpu.memref_slice %arg14[%run_scoped3A_16, %dma_start3A_68, %dma_start3A_69] : memref<2x128x128xf32, #tpu.memory_space<vmem>> -> memref<1x128x128xf32, #tpu.memory_space<vmem>>
      %dma_start3A_71 = tpu.memref_squeeze %dma_start3A_70 : memref<1x128x128xf32, #tpu.memory_space<vmem>> -> memref<128x128xf32, #tpu.memory_space<vmem>>
      tpu.enqueue_dma source(%dma_start3A_71 : memref<128x128xf32, #tpu.memory_space<vmem>>) target(%dma_start3A_67 : memref<128x128xf32, #tpu.memory_space<vmem_shared>>) target_semaphore(%run_scoped3A_60 : memref<!tpu.dma_semaphore, #tpu.memory_space<semaphore_mem>>)
      %dma_wait3A = arith.constant 0 : i32
      %dma_wait3A_72 = arith.constant 0 : i32
      %dma_wait3A_73 = tpu.memref_slice %arg14[%run_scoped3A_16, %dma_wait3A, %dma_wait3A_72] : memref<2x128x128xf32, #tpu.memory_space<vmem>> -> memref<1x128x128xf32, #tpu.memory_space<vmem>>
      %dma_wait3A_74 = tpu.memref_squeeze %dma_wait3A_73 : memref<1x128x128xf32, #tpu.memory_space<vmem>> -> memref<128x128xf32, #tpu.memory_space<vmem>>
      %dma_wait3A_75 = arith.constant 0 : i32
      %dma_wait3A_76 = tpu.memref_slice %arg18[%add3A_15, %dma_wait3A_75] : memref<10240x128xf32, #tpu.memory_space<vmem_shared>> -> memref<128x128xf32, #tpu.memory_space<vmem_shared>>
      %dma_wait3A_77 = arith.constant 0 : i32
      %dma_wait3A_78 = tpu.memref_slice %arg18[%add3A_15, %dma_wait3A_77] : memref<10240x128xf32, #tpu.memory_space<vmem_shared>> -> memref<128x128xf32, #tpu.memory_space<vmem_shared>>
      %dma_wait3A_79 = arith.constant 0 : i32
      %dma_wait3A_80 = arith.constant 0 : i32
      %dma_wait3A_81 = tpu.memref_slice %arg14[%run_scoped3A_16, %dma_wait3A_79, %dma_wait3A_80] : memref<2x128x128xf32, #tpu.memory_space<vmem>> -> memref<1x128x128xf32, #tpu.memory_space<vmem>>
      %dma_wait3A_82 = tpu.memref_squeeze %dma_wait3A_81 : memref<1x128x128xf32, #tpu.memory_space<vmem>> -> memref<128x128xf32, #tpu.memory_space<vmem>>
      tpu.wait_dma2 semaphore(%run_scoped3A_60 : memref<!tpu.dma_semaphore, #tpu.memory_space<semaphore_mem>>) src(%dma_wait3A_82 : memref<128x128xf32, #tpu.memory_space<vmem>>) dst(%dma_wait3A_78 : memref<128x128xf32, #tpu.memory_space<vmem_shared>>)
      tpu.yield
    }) : () -> ()
    %add3A_17 = arith.constant 256 : i32
    %add3A_18 = arith.addi %mul3A_12, %add3A_17 : i32
    %run_scoped3A_19 = arith.constant 0 : i32
    "tpu.region"() ({
      %run_scoped3A_60 = tpu.sem_alloc : memref<!tpu.dma_semaphore, #tpu.memory_space<semaphore_mem>>
      %dma_start3A = arith.constant 0 : i32
      %dma_start3A_61 = arith.constant 0 : i32
      %dma_start3A_62 = tpu.memref_slice %arg14[%run_scoped3A_19, %dma_start3A, %dma_start3A_61] : memref<2x128x128xf32, #tpu.memory_space<vmem>> -> memref<1x128x128xf32, #tpu.memory_space<vmem>>
      %dma_start3A_63 = tpu.memref_squeeze %dma_start3A_62 : memref<1x128x128xf32, #tpu.memory_space<vmem>> -> memref<128x128xf32, #tpu.memory_space<vmem>>
      %dma_start3A_64 = arith.constant 0 : i32
      %dma_start3A_65 = tpu.memref_slice %arg18[%add3A_18, %dma_start3A_64] : memref<10240x128xf32, #tpu.memory_space<vmem_shared>> -> memref<128x128xf32, #tpu.memory_space<vmem_shared>>
      %dma_start3A_66 = arith.constant 0 : i32
      %dma_start3A_67 = tpu.memref_slice %arg18[%add3A_18, %dma_start3A_66] : memref<10240x128xf32, #tpu.memory_space<vmem_shared>> -> memref<128x128xf32, #tpu.memory_space<vmem_shared>>
      %dma_start3A_68 = arith.constant 0 : i32
      %dma_start3A_69 = arith.constant 0 : i32
      %dma_start3A_70 = tpu.memref_slice %arg14[%run_scoped3A_19, %dma_start3A_68, %dma_start3A_69] : memref<2x128x128xf32, #tpu.memory_space<vmem>> -> memref<1x128x128xf32, #tpu.memory_space<vmem>>
      %dma_start3A_71 = tpu.memref_squeeze %dma_start3A_70 : memref<1x128x128xf32, #tpu.memory_space<vmem>> -> memref<128x128xf32, #tpu.memory_space<vmem>>
      tpu.enqueue_dma source(%dma_start3A_71 : memref<128x128xf32, #tpu.memory_space<vmem>>) target(%dma_start3A_67 : memref<128x128xf32, #tpu.memory_space<vmem_shared>>) target_semaphore(%run_scoped3A_60 : memref<!tpu.dma_semaphore, #tpu.memory_space<semaphore_mem>>)
      %dma_wait3A = arith.constant 0 : i32
      %dma_wait3A_72 = arith.constant 0 : i32
      %dma_wait3A_73 = tpu.memref_slice %arg14[%run_scoped3A_19, %dma_wait3A, %dma_wait3A_72] : memref<2x128x128xf32, #tpu.memory_space<vmem>> -> memref<1x128x128xf32, #tpu.memory_space<vmem>>
      %dma_wait3A_74 = tpu.memref_squeeze %dma_wait3A_73 : memref<1x128x128xf32, #tpu.memory_space<vmem>> -> memref<128x128xf32, #tpu.memory_space<vmem>>
      %dma_wait3A_75 = arith.constant 0 : i32
      %dma_wait3A_76 = tpu.memref_slice %arg18[%add3A_18, %dma_wait3A_75] : memref<10240x128xf32, #tpu.memory_space<vmem_shared>> -> memref<128x128xf32, #tpu.memory_space<vmem_shared>>
      %dma_wait3A_77 = arith.constant 0 : i32
      %dma_wait3A_78 = tpu.memref_slice %arg18[%add3A_18, %dma_wait3A_77] : memref<10240x128xf32, #tpu.memory_space<vmem_shared>> -> memref<128x128xf32, #tpu.memory_space<vmem_shared>>
      %dma_wait3A_79 = arith.constant 0 : i32
      %dma_wait3A_80 = arith.constant 0 : i32
      %dma_wait3A_81 = tpu.memref_slice %arg14[%run_scoped3A_19, %dma_wait3A_79, %dma_wait3A_80] : memref<2x128x128xf32, #tpu.memory_space<vmem>> -> memref<1x128x128xf32, #tpu.memory_space<vmem>>
      %dma_wait3A_82 = tpu.memref_squeeze %dma_wait3A_81 : memref<1x128x128xf32, #tpu.memory_space<vmem>> -> memref<128x128xf32, #tpu.memory_space<vmem>>
      tpu.wait_dma2 semaphore(%run_scoped3A_60 : memref<!tpu.dma_semaphore, #tpu.memory_space<semaphore_mem>>) src(%dma_wait3A_82 : memref<128x128xf32, #tpu.memory_space<vmem>>) dst(%dma_wait3A_78 : memref<128x128xf32, #tpu.memory_space<vmem_shared>>)
      tpu.yield
    }) : () -> ()
    %add3A_20 = arith.constant 384 : i32
    %add3A_21 = arith.addi %mul3A_12, %add3A_20 : i32
    %run_scoped3A_22 = arith.constant 0 : i32
    "tpu.region"() ({
      %run_scoped3A_60 = tpu.sem_alloc : memref<!tpu.dma_semaphore, #tpu.memory_space<semaphore_mem>>
      %dma_start3A = arith.constant 0 : i32
      %dma_start3A_61 = arith.constant 0 : i32
      %dma_start3A_62 = tpu.memref_slice %arg14[%run_scoped3A_22, %dma_start3A, %dma_start3A_61] : memref<2x128x128xf32, #tpu.memory_space<vmem>> -> memref<1x128x128xf32, #tpu.memory_space<vmem>>
      %dma_start3A_63 = tpu.memref_squeeze %dma_start3A_62 : memref<1x128x128xf32, #tpu.memory_space<vmem>> -> memref<128x128xf32, #tpu.memory_space<vmem>>
      %dma_start3A_64 = arith.constant 0 : i32
      %dma_start3A_65 = tpu.memref_slice %arg18[%add3A_21, %dma_start3A_64] : memref<10240x128xf32, #tpu.memory_space<vmem_shared>> -> memref<128x128xf32, #tpu.memory_space<vmem_shared>>
      %dma_start3A_66 = arith.constant 0 : i32
      %dma_start3A_67 = tpu.memref_slice %arg18[%add3A_21, %dma_start3A_66] : memref<10240x128xf32, #tpu.memory_space<vmem_shared>> -> memref<128x128xf32, #tpu.memory_space<vmem_shared>>
      %dma_start3A_68 = arith.constant 0 : i32
      %dma_start3A_69 = arith.constant 0 : i32
      %dma_start3A_70 = tpu.memref_slice %arg14[%run_scoped3A_22, %dma_start3A_68, %dma_start3A_69] : memref<2x128x128xf32, #tpu.memory_space<vmem>> -> memref<1x128x128xf32, #tpu.memory_space<vmem>>
      %dma_start3A_71 = tpu.memref_squeeze %dma_start3A_70 : memref<1x128x128xf32, #tpu.memory_space<vmem>> -> memref<128x128xf32, #tpu.memory_space<vmem>>
      tpu.enqueue_dma source(%dma_start3A_71 : memref<128x128xf32, #tpu.memory_space<vmem>>) target(%dma_start3A_67 : memref<128x128xf32, #tpu.memory_space<vmem_shared>>) target_semaphore(%run_scoped3A_60 : memref<!tpu.dma_semaphore, #tpu.memory_space<semaphore_mem>>)
      %dma_wait3A = arith.constant 0 : i32
      %dma_wait3A_72 = arith.constant 0 : i32
      %dma_wait3A_73 = tpu.memref_slice %arg14[%run_scoped3A_22, %dma_wait3A, %dma_wait3A_72] : memref<2x128x128xf32, #tpu.memory_space<vmem>> -> memref<1x128x128xf32, #tpu.memory_space<vmem>>
      %dma_wait3A_74 = tpu.memref_squeeze %dma_wait3A_73 : memref<1x128x128xf32, #tpu.memory_space<vmem>> -> memref<128x128xf32, #tpu.memory_space<vmem>>
      %dma_wait3A_75 = arith.constant 0 : i32
      %dma_wait3A_76 = tpu.memref_slice %arg18[%add3A_21, %dma_wait3A_75] : memref<10240x128xf32, #tpu.memory_space<vmem_shared>> -> memref<128x128xf32, #tpu.memory_space<vmem_shared>>
      %dma_wait3A_77 = arith.constant 0 : i32
      %dma_wait3A_78 = tpu.memref_slice %arg18[%add3A_21, %dma_wait3A_77] : memref<10240x128xf32, #tpu.memory_space<vmem_shared>> -> memref<128x128xf32, #tpu.memory_space<vmem_shared>>
      %dma_wait3A_79 = arith.constant 0 : i32
      %dma_wait3A_80 = arith.constant 0 : i32
      %dma_wait3A_81 = tpu.memref_slice %arg14[%run_scoped3A_22, %dma_wait3A_79, %dma_wait3A_80] : memref<2x128x128xf32, #tpu.memory_space<vmem>> -> memref<1x128x128xf32, #tpu.memory_space<vmem>>
      %dma_wait3A_82 = tpu.memref_squeeze %dma_wait3A_81 : memref<1x128x128xf32, #tpu.memory_space<vmem>> -> memref<128x128xf32, #tpu.memory_space<vmem>>
      tpu.wait_dma2 semaphore(%run_scoped3A_60 : memref<!tpu.dma_semaphore, #tpu.memory_space<semaphore_mem>>) src(%dma_wait3A_82 : memref<128x128xf32, #tpu.memory_space<vmem>>) dst(%dma_wait3A_78 : memref<128x128xf32, #tpu.memory_space<vmem_shared>>)
      tpu.yield
    }) : () -> ()
    %add3A_23 = arith.constant 512 : i32
    %add3A_24 = arith.addi %mul3A_12, %add3A_23 : i32
    %run_scoped3A_25 = arith.constant 0 : i32
    "tpu.region"() ({
      %run_scoped3A_60 = tpu.sem_alloc : memref<!tpu.dma_semaphore, #tpu.memory_space<semaphore_mem>>
      %dma_start3A = arith.constant 0 : i32
      %dma_start3A_61 = arith.constant 0 : i32
      %dma_start3A_62 = tpu.memref_slice %arg14[%run_scoped3A_25, %dma_start3A, %dma_start3A_61] : memref<2x128x128xf32, #tpu.memory_space<vmem>> -> memref<1x128x128xf32, #tpu.memory_space<vmem>>
      %dma_start3A_63 = tpu.memref_squeeze %dma_start3A_62 : memref<1x128x128xf32, #tpu.memory_space<vmem>> -> memref<128x128xf32, #tpu.memory_space<vmem>>
      %dma_start3A_64 = arith.constant 0 : i32
      %dma_start3A_65 = tpu.memref_slice %arg18[%add3A_24, %dma_start3A_64] : memref<10240x128xf32, #tpu.memory_space<vmem_shared>> -> memref<128x128xf32, #tpu.memory_space<vmem_shared>>
      %dma_start3A_66 = arith.constant 0 : i32
      %dma_start3A_67 = tpu.memref_slice %arg18[%add3A_24, %dma_start3A_66] : memref<10240x128xf32, #tpu.memory_space<vmem_shared>> -> memref<128x128xf32, #tpu.memory_space<vmem_shared>>
      %dma_start3A_68 = arith.constant 0 : i32
      %dma_start3A_69 = arith.constant 0 : i32
      %dma_start3A_70 = tpu.memref_slice %arg14[%run_scoped3A_25, %dma_start3A_68, %dma_start3A_69] : memref<2x128x128xf32, #tpu.memory_space<vmem>> -> memref<1x128x128xf32, #tpu.memory_space<vmem>>
      %dma_start3A_71 = tpu.memref_squeeze %dma_start3A_70 : memref<1x128x128xf32, #tpu.memory_space<vmem>> -> memref<128x128xf32, #tpu.memory_space<vmem>>
      tpu.enqueue_dma source(%dma_start3A_71 : memref<128x128xf32, #tpu.memory_space<vmem>>) target(%dma_start3A_67 : memref<128x128xf32, #tpu.memory_space<vmem_shared>>) target_semaphore(%run_scoped3A_60 : memref<!tpu.dma_semaphore, #tpu.memory_space<semaphore_mem>>)
      %dma_wait3A = arith.constant 0 : i32
      %dma_wait3A_72 = arith.constant 0 : i32
      %dma_wait3A_73 = tpu.memref_slice %arg14[%run_scoped3A_25, %dma_wait3A, %dma_wait3A_72] : memref<2x128x128xf32, #tpu.memory_space<vmem>> -> memref<1x128x128xf32, #tpu.memory_space<vmem>>
      %dma_wait3A_74 = tpu.memref_squeeze %dma_wait3A_73 : memref<1x128x128xf32, #tpu.memory_space<vmem>> -> memref<128x128xf32, #tpu.memory_space<vmem>>
      %dma_wait3A_75 = arith.constant 0 : i32
      %dma_wait3A_76 = tpu.memref_slice %arg18[%add3A_24, %dma_wait3A_75] : memref<10240x128xf32, #tpu.memory_space<vmem_shared>> -> memref<128x128xf32, #tpu.memory_space<vmem_shared>>
      %dma_wait3A_77 = arith.constant 0 : i32
      %dma_wait3A_78 = tpu.memref_slice %arg18[%add3A_24, %dma_wait3A_77] : memref<10240x128xf32, #tpu.memory_space<vmem_shared>> -> memref<128x128xf32, #tpu.memory_space<vmem_shared>>
      %dma_wait3A_79 = arith.constant 0 : i32
      %dma_wait3A_80 = arith.constant 0 : i32
      %dma_wait3A_81 = tpu.memref_slice %arg14[%run_scoped3A_25, %dma_wait3A_79, %dma_wait3A_80] : memref<2x128x128xf32, #tpu.memory_space<vmem>> -> memref<1x128x128xf32, #tpu.memory_space<vmem>>
      %dma_wait3A_82 = tpu.memref_squeeze %dma_wait3A_81 : memref<1x128x128xf32, #tpu.memory_space<vmem>> -> memref<128x128xf32, #tpu.memory_space<vmem>>
      tpu.wait_dma2 semaphore(%run_scoped3A_60 : memref<!tpu.dma_semaphore, #tpu.memory_space<semaphore_mem>>) src(%dma_wait3A_82 : memref<128x128xf32, #tpu.memory_space<vmem>>) dst(%dma_wait3A_78 : memref<128x128xf32, #tpu.memory_space<vmem_shared>>)
      tpu.yield
    }) : () -> ()
    %barrier3A = arith.constant 0 : index
    tpu.barrier barrier_id(%barrier3A)
    %broadcast_in_dim3A_26 = arith.constant 1.000000e+00 : f32
    %broadcast_in_dim3A_27 = vector.broadcast %broadcast_in_dim3A_26 : f32 to vector<16xf32>
    %mul3A_28 = arith.constant 160 : i32
    %mul3A_29 = arith.muli %arg1, %mul3A_28 : i32
    %eq3A = arith.constant 0 : i32
    %eq3A_30 = arith.cmpi eq, %arg0, %eq3A : i32
    %convert_element_type3A = arith.extui %eq3A_30 : i1 to i32
    %cond3A = arith.constant 0 : i32
    %cond3A_31 = arith.cmpi ne, %convert_element_type3A, %cond3A : i32
    scf.if %cond3A_31 {
      %run_scoped3A_60 = arith.constant 0 : i32
      "tpu.region"() ({
        %run_scoped3A_110 = tpu.sem_alloc : memref<!tpu.dma_semaphore, #tpu.memory_space<semaphore_mem>>
        %dma_start3A_111 = arith.constant 0 : i32
        %dma_start3A_112 = arith.constant 0 : i32
        %dma_start3A_113 = tpu.memref_slice %arg12[%run_scoped3A_60, %dma_start3A_111, %dma_start3A_112] : memref<2x8x128xi32, #tpu.memory_space<vmem>> -> memref<1x8x128xi32, #tpu.memory_space<vmem>>
        %dma_start3A_114 = tpu.memref_squeeze %dma_start3A_113 : memref<1x8x128xi32, #tpu.memory_space<vmem>> -> memref<8x128xi32, #tpu.memory_space<vmem>>
        %dma_start3A_115 = arith.constant 0 : i32
        %dma_start3A_116 = tpu.memref_slice %arg4[%mul3A_29, %dma_start3A_115] : memref<2560x128xi32, #tpu.memory_space<hbm>> -> memref<8x128xi32, #tpu.memory_space<hbm>>
        %dma_start3A_117 = arith.constant 0 : i32
        %dma_start3A_118 = arith.constant 0 : i32
        %dma_start3A_119 = tpu.memref_slice %arg12[%run_scoped3A_60, %dma_start3A_117, %dma_start3A_118] : memref<2x8x128xi32, #tpu.memory_space<vmem>> -> memref<1x8x128xi32, #tpu.memory_space<vmem>>
        %dma_start3A_120 = tpu.memref_squeeze %dma_start3A_119 : memref<1x8x128xi32, #tpu.memory_space<vmem>> -> memref<8x128xi32, #tpu.memory_space<vmem>>
        %dma_start3A_121 = arith.constant 0 : i32
        %dma_start3A_122 = tpu.memref_slice %arg4[%mul3A_29, %dma_start3A_121] : memref<2560x128xi32, #tpu.memory_space<hbm>> -> memref<8x128xi32, #tpu.memory_space<hbm>>
        tpu.enqueue_dma source(%dma_start3A_122 : memref<8x128xi32, #tpu.memory_space<hbm>>) target(%dma_start3A_120 : memref<8x128xi32, #tpu.memory_space<vmem>>) target_semaphore(%run_scoped3A_110 : memref<!tpu.dma_semaphore, #tpu.memory_space<semaphore_mem>>)
        %dma_wait3A = arith.constant 0 : i32
        %dma_wait3A_123 = arith.constant 0 : i32
        %dma_wait3A_124 = tpu.memref_slice %arg12[%run_scoped3A_60, %dma_wait3A, %dma_wait3A_123] : memref<2x8x128xi32, #tpu.memory_space<vmem>> -> memref<1x8x128xi32, #tpu.memory_space<vmem>>
        %dma_wait3A_125 = tpu.memref_squeeze %dma_wait3A_124 : memref<1x8x128xi32, #tpu.memory_space<vmem>> -> memref<8x128xi32, #tpu.memory_space<vmem>>
        %dma_wait3A_126 = arith.constant 0 : i32
        %dma_wait3A_127 = tpu.memref_slice %arg4[%mul3A_29, %dma_wait3A_126] : memref<2560x128xi32, #tpu.memory_space<hbm>> -> memref<8x128xi32, #tpu.memory_space<hbm>>
        %dma_wait3A_128 = arith.constant 0 : i32
        %dma_wait3A_129 = arith.constant 0 : i32
        %dma_wait3A_130 = tpu.memref_slice %arg12[%run_scoped3A_60, %dma_wait3A_128, %dma_wait3A_129] : memref<2x8x128xi32, #tpu.memory_space<vmem>> -> memref<1x8x128xi32, #tpu.memory_space<vmem>>
        %dma_wait3A_131 = tpu.memref_squeeze %dma_wait3A_130 : memref<1x8x128xi32, #tpu.memory_space<vmem>> -> memref<8x128xi32, #tpu.memory_space<vmem>>
        %dma_wait3A_132 = arith.constant 0 : i32
        %dma_wait3A_133 = tpu.memref_slice %arg4[%mul3A_29, %dma_wait3A_132] : memref<2560x128xi32, #tpu.memory_space<hbm>> -> memref<8x128xi32, #tpu.memory_space<hbm>>
        tpu.wait_dma2 semaphore(%run_scoped3A_110 : memref<!tpu.dma_semaphore, #tpu.memory_space<semaphore_mem>>) src(%dma_wait3A_133 : memref<8x128xi32, #tpu.memory_space<hbm>>) dst(%dma_wait3A_131 : memref<8x128xi32, #tpu.memory_space<vmem>>)
        tpu.yield
      }) : () -> ()
      %run_scoped3A_61 = arith.constant 0 : i32
      "tpu.region"() ({
        %run_scoped3A_110 = tpu.sem_alloc : memref<!tpu.dma_semaphore, #tpu.memory_space<semaphore_mem>>
        %dma_start3A_111 = arith.constant 0 : i32
        %dma_start3A_112 = arith.constant 0 : i32
        %dma_start3A_113 = tpu.memref_slice %arg13[%run_scoped3A_61, %dma_start3A_111, %dma_start3A_112] : memref<2x8x128xi32, #tpu.memory_space<vmem>> -> memref<1x8x128xi32, #tpu.memory_space<vmem>>
        %dma_start3A_114 = tpu.memref_squeeze %dma_start3A_113 : memref<1x8x128xi32, #tpu.memory_space<vmem>> -> memref<8x128xi32, #tpu.memory_space<vmem>>
        %dma_start3A_115 = arith.constant 0 : i32
        %dma_start3A_116 = tpu.memref_slice %arg5[%mul3A_29, %dma_start3A_115] : memref<2560x128xi32, #tpu.memory_space<hbm>> -> memref<8x128xi32, #tpu.memory_space<hbm>>
        %dma_start3A_117 = arith.constant 0 : i32
        %dma_start3A_118 = arith.constant 0 : i32
        %dma_start3A_119 = tpu.memref_slice %arg13[%run_scoped3A_61, %dma_start3A_117, %dma_start3A_118] : memref<2x8x128xi32, #tpu.memory_space<vmem>> -> memref<1x8x128xi32, #tpu.memory_space<vmem>>
        %dma_start3A_120 = tpu.memref_squeeze %dma_start3A_119 : memref<1x8x128xi32, #tpu.memory_space<vmem>> -> memref<8x128xi32, #tpu.memory_space<vmem>>
        %dma_start3A_121 = arith.constant 0 : i32
        %dma_start3A_122 = tpu.memref_slice %arg5[%mul3A_29, %dma_start3A_121] : memref<2560x128xi32, #tpu.memory_space<hbm>> -> memref<8x128xi32, #tpu.memory_space<hbm>>
        tpu.enqueue_dma source(%dma_start3A_122 : memref<8x128xi32, #tpu.memory_space<hbm>>) target(%dma_start3A_120 : memref<8x128xi32, #tpu.memory_space<vmem>>) target_semaphore(%run_scoped3A_110 : memref<!tpu.dma_semaphore, #tpu.memory_space<semaphore_mem>>)
        %dma_wait3A = arith.constant 0 : i32
        %dma_wait3A_123 = arith.constant 0 : i32
        %dma_wait3A_124 = tpu.memref_slice %arg13[%run_scoped3A_61, %dma_wait3A, %dma_wait3A_123] : memref<2x8x128xi32, #tpu.memory_space<vmem>> -> memref<1x8x128xi32, #tpu.memory_space<vmem>>
        %dma_wait3A_125 = tpu.memref_squeeze %dma_wait3A_124 : memref<1x8x128xi32, #tpu.memory_space<vmem>> -> memref<8x128xi32, #tpu.memory_space<vmem>>
        %dma_wait3A_126 = arith.constant 0 : i32
        %dma_wait3A_127 = tpu.memref_slice %arg5[%mul3A_29, %dma_wait3A_126] : memref<2560x128xi32, #tpu.memory_space<hbm>> -> memref<8x128xi32, #tpu.memory_space<hbm>>
        %dma_wait3A_128 = arith.constant 0 : i32
        %dma_wait3A_129 = arith.constant 0 : i32
        %dma_wait3A_130 = tpu.memref_slice %arg13[%run_scoped3A_61, %dma_wait3A_128, %dma_wait3A_129] : memref<2x8x128xi32, #tpu.memory_space<vmem>> -> memref<1x8x128xi32, #tpu.memory_space<vmem>>
        %dma_wait3A_131 = tpu.memref_squeeze %dma_wait3A_130 : memref<1x8x128xi32, #tpu.memory_space<vmem>> -> memref<8x128xi32, #tpu.memory_space<vmem>>
        %dma_wait3A_132 = arith.constant 0 : i32
        %dma_wait3A_133 = tpu.memref_slice %arg5[%mul3A_29, %dma_wait3A_132] : memref<2560x128xi32, #tpu.memory_space<hbm>> -> memref<8x128xi32, #tpu.memory_space<hbm>>
        tpu.wait_dma2 semaphore(%run_scoped3A_110 : memref<!tpu.dma_semaphore, #tpu.memory_space<semaphore_mem>>) src(%dma_wait3A_133 : memref<8x128xi32, #tpu.memory_space<hbm>>) dst(%dma_wait3A_131 : memref<8x128xi32, #tpu.memory_space<vmem>>)
        tpu.yield
      }) : () -> ()
      %add3A_62 = arith.constant 8 : i32
      %add3A_63 = arith.addi %mul3A_29, %add3A_62 : i32
      %dma_start3A = arith.constant 1 : i32
      %dma_start3A_64 = arith.constant 0 : i32
      %dma_start3A_65 = arith.constant 0 : i32
      %dma_start3A_66 = tpu.memref_slice %arg12[%dma_start3A, %dma_start3A_64, %dma_start3A_65] : memref<2x8x128xi32, #tpu.memory_space<vmem>> -> memref<1x8x128xi32, #tpu.memory_space<vmem>>
      %dma_start3A_67 = tpu.memref_squeeze %dma_start3A_66 : memref<1x8x128xi32, #tpu.memory_space<vmem>> -> memref<8x128xi32, #tpu.memory_space<vmem>>
      %dma_start3A_68 = arith.constant 0 : i32
      %dma_start3A_69 = tpu.memref_slice %arg4[%add3A_63, %dma_start3A_68] : memref<2560x128xi32, #tpu.memory_space<hbm>> -> memref<8x128xi32, #tpu.memory_space<hbm>>
      %dma_start3A_70 = arith.constant 0 : i32
      %dma_start3A_71 = arith.constant 0 : i32
      %dma_start3A_72 = tpu.memref_slice %arg12[%dma_start3A, %dma_start3A_70, %dma_start3A_71] : memref<2x8x128xi32, #tpu.memory_space<vmem>> -> memref<1x8x128xi32, #tpu.memory_space<vmem>>
      %dma_start3A_73 = tpu.memref_squeeze %dma_start3A_72 : memref<1x8x128xi32, #tpu.memory_space<vmem>> -> memref<8x128xi32, #tpu.memory_space<vmem>>
      %dma_start3A_74 = arith.constant 0 : i32
      %dma_start3A_75 = tpu.memref_slice %arg4[%add3A_63, %dma_start3A_74] : memref<2560x128xi32, #tpu.memory_space<hbm>> -> memref<8x128xi32, #tpu.memory_space<hbm>>
      tpu.enqueue_dma source(%dma_start3A_75 : memref<8x128xi32, #tpu.memory_space<hbm>>) target(%dma_start3A_73 : memref<8x128xi32, #tpu.memory_space<vmem>>) target_semaphore(%arg22 : memref<!tpu.dma_semaphore, #tpu.memory_space<semaphore_mem>>)
      %add3A_76 = arith.constant 8 : i32
      %add3A_77 = arith.addi %mul3A_29, %add3A_76 : i32
      %dma_start3A_78 = arith.constant 1 : i32
      %dma_start3A_79 = arith.constant 0 : i32
      %dma_start3A_80 = arith.constant 0 : i32
      %dma_start3A_81 = tpu.memref_slice %arg13[%dma_start3A_78, %dma_start3A_79, %dma_start3A_80] : memref<2x8x128xi32, #tpu.memory_space<vmem>> -> memref<1x8x128xi32, #tpu.memory_space<vmem>>
      %dma_start3A_82 = tpu.memref_squeeze %dma_start3A_81 : memref<1x8x128xi32, #tpu.memory_space<vmem>> -> memref<8x128xi32, #tpu.memory_space<vmem>>
      %dma_start3A_83 = arith.constant 0 : i32
      %dma_start3A_84 = tpu.memref_slice %arg5[%add3A_77, %dma_start3A_83] : memref<2560x128xi32, #tpu.memory_space<hbm>> -> memref<8x128xi32, #tpu.memory_space<hbm>>
      %dma_start3A_85 = arith.constant 0 : i32
      %dma_start3A_86 = arith.constant 0 : i32
      %dma_start3A_87 = tpu.memref_slice %arg13[%dma_start3A_78, %dma_start3A_85, %dma_start3A_86] : memref<2x8x128xi32, #tpu.memory_space<vmem>> -> memref<1x8x128xi32, #tpu.memory_space<vmem>>
      %dma_start3A_88 = tpu.memref_squeeze %dma_start3A_87 : memref<1x8x128xi32, #tpu.memory_space<vmem>> -> memref<8x128xi32, #tpu.memory_space<vmem>>
      %dma_start3A_89 = arith.constant 0 : i32
      %dma_start3A_90 = tpu.memref_slice %arg5[%add3A_77, %dma_start3A_89] : memref<2560x128xi32, #tpu.memory_space<hbm>> -> memref<8x128xi32, #tpu.memory_space<hbm>>
      tpu.enqueue_dma source(%dma_start3A_90 : memref<8x128xi32, #tpu.memory_space<hbm>>) target(%dma_start3A_88 : memref<8x128xi32, #tpu.memory_space<vmem>>) target_semaphore(%arg22 : memref<!tpu.dma_semaphore, #tpu.memory_space<semaphore_mem>>)
      %dma_start3A_91 = arith.constant 0 : i32
      %dma_start3A_92 = arith.constant 0 : i32
      %dma_start3A_93 = arith.constant 0 : i32
      %dma_start3A_94 = arith.constant 0 : i32
      %dma_start3A_95 = arith.constant 0 : i32
      %dma_start3A_96 = tpu.memref_slice %arg14[%dma_start3A_93, %dma_start3A_94, %dma_start3A_95] : memref<2x128x128xf32, #tpu.memory_space<vmem>> -> memref<1x128x128xf32, #tpu.memory_space<vmem>>
      %dma_start3A_97 = tpu.memref_squeeze %dma_start3A_96 : memref<1x128x128xf32, #tpu.memory_space<vmem>> -> memref<128x128xf32, #tpu.memory_space<vmem>>
      %dma_start3A_98 = arith.constant 0 : i32
      %dma_start3A_99 = tpu.memref_slice %arg12[%dma_start3A_91, %dma_start3A_92, %dma_start3A_98] : memref<2x8x128xi32, #tpu.memory_space<vmem>> -> memref<1x1x128xi32, #tpu.memory_space<vmem>>
      %dma_start3A_100 = tpu.memref_squeeze %dma_start3A_99 : memref<1x1x128xi32, #tpu.memory_space<vmem>> -> memref<128xi32, #tpu.memory_space<vmem>>
      %dma_start3A_101 = arith.constant 0 : i32
      %dma_start3A_102 = arith.constant 0 : i32
      %dma_start3A_103 = tpu.memref_slice %arg2[%dma_start3A_101, %dma_start3A_102] : memref<10000x128xf32, #tpu.memory_space<hbm>> -> memref<10000x128xf32, #tpu.memory_space<hbm>>
      tpu.enqueue_indirect_dma source(%dma_start3A_103 : memref<10000x128xf32, #tpu.memory_space<hbm>>) target(%dma_start3A_97 : memref<128x128xf32, #tpu.memory_space<vmem>>) offsets(%dma_start3A_100 : memref<128xi32, #tpu.memory_space<vmem>>) semaphore(%arg20 : memref<!tpu.dma_semaphore, #tpu.memory_space<semaphore_mem>>)
      %scan3A_104 = arith.constant 0 : i32
      %scan3A_105 = arith.constant 0 : i32
      %scan3A_106 = arith.constant 160 : i32
      %scan3A_107 = arith.addi %scan3A_105, %scan3A_106 : i32
      %scan3A_108 = arith.constant 1 : i32
      scf.for %scan3A_110 = %scan3A_105 to %scan3A_107 step %scan3A_108  : i32 {
        %shift_right_logical3A = arith.constant 3 : i32
        %shift_right_logical3A_111 = arith.shrui %scan3A_110, %shift_right_logical3A : i32
        %and3A = arith.constant 1 : i32
        %and3A_112 = arith.andi %shift_right_logical3A_111, %and3A : i32
        %and3A_113 = arith.constant 1 : i32
        %and3A_114 = arith.andi %scan3A_110, %and3A_113 : i32
        %and3A_115 = arith.constant 7 : i32
        %and3A_116 = arith.andi %scan3A_110, %and3A_115 : i32
        %eq3A_117 = arith.constant 0 : i32
        %eq3A_118 = arith.cmpi eq, %and3A_116, %eq3A_117 : i32
        %ge3A = arith.constant 1 : i32
        %ge3A_119 = arith.cmpi sge, %shift_right_logical3A_111, %ge3A : i32
        %add3A_120 = arith.constant 1 : i32
        %add3A_121 = arith.addi %shift_right_logical3A_111, %add3A_120 : i32
        %lt3A = arith.constant 20 : i32
        %lt3A_122 = arith.cmpi slt, %add3A_121, %lt3A : i32
        %and3A_123 = arith.andi %ge3A_119, %lt3A_122 : i1
        %and3A_124 = arith.andi %eq3A_118, %and3A_123 : i1
        %convert_element_type3A_125 = arith.extui %and3A_124 : i1 to i32
        %cond3A_126 = arith.constant 0 : i32
        %cond3A_127 = arith.cmpi ne, %convert_element_type3A_125, %cond3A_126 : i32
        scf.if %cond3A_127 {
          %add3A_205 = arith.constant 1 : i32
          %add3A_206 = arith.addi %shift_right_logical3A_111, %add3A_205 : i32
          %mul3A_207 = arith.constant 8 : i32
          %mul3A_208 = arith.muli %add3A_206, %mul3A_207 : i32
          %add3A_209 = arith.addi %mul3A_29, %mul3A_208 : i32
          %sub3A = arith.constant 1 : i32
          %sub3A_210 = arith.subi %sub3A, %and3A_112 : i32
          %dma_start3A_211 = arith.constant 0 : i32
          %dma_start3A_212 = arith.constant 0 : i32
          %dma_start3A_213 = tpu.memref_slice %arg12[%sub3A_210, %dma_start3A_211, %dma_start3A_212] : memref<2x8x128xi32, #tpu.memory_space<vmem>> -> memref<1x8x128xi32, #tpu.memory_space<vmem>>
          %dma_start3A_214 = tpu.memref_squeeze %dma_start3A_213 : memref<1x8x128xi32, #tpu.memory_space<vmem>> -> memref<8x128xi32, #tpu.memory_space<vmem>>
          %dma_start3A_215 = arith.constant 0 : i32
          %dma_start3A_216 = tpu.memref_slice %arg4[%add3A_209, %dma_start3A_215] : memref<2560x128xi32, #tpu.memory_space<hbm>> -> memref<8x128xi32, #tpu.memory_space<hbm>>
          %dma_start3A_217 = arith.constant 0 : i32
          %dma_start3A_218 = arith.constant 0 : i32
          %dma_start3A_219 = tpu.memref_slice %arg12[%sub3A_210, %dma_start3A_217, %dma_start3A_218] : memref<2x8x128xi32, #tpu.memory_space<vmem>> -> memref<1x8x128xi32, #tpu.memory_space<vmem>>
          %dma_start3A_220 = tpu.memref_squeeze %dma_start3A_219 : memref<1x8x128xi32, #tpu.memory_space<vmem>> -> memref<8x128xi32, #tpu.memory_space<vmem>>
          %dma_start3A_221 = arith.constant 0 : i32
          %dma_start3A_222 = tpu.memref_slice %arg4[%add3A_209, %dma_start3A_221] : memref<2560x128xi32, #tpu.memory_space<hbm>> -> memref<8x128xi32, #tpu.memory_space<hbm>>
          tpu.enqueue_dma source(%dma_start3A_222 : memref<8x128xi32, #tpu.memory_space<hbm>>) target(%dma_start3A_220 : memref<8x128xi32, #tpu.memory_space<vmem>>) target_semaphore(%arg22 : memref<!tpu.dma_semaphore, #tpu.memory_space<semaphore_mem>>)
          %sub3A_223 = arith.constant 1 : i32
          %sub3A_224 = arith.subi %sub3A_223, %and3A_112 : i32
          %dma_start3A_225 = arith.constant 0 : i32
          %dma_start3A_226 = arith.constant 0 : i32
          %dma_start3A_227 = tpu.memref_slice %arg13[%sub3A_224, %dma_start3A_225, %dma_start3A_226] : memref<2x8x128xi32, #tpu.memory_space<vmem>> -> memref<1x8x128xi32, #tpu.memory_space<vmem>>
          %dma_start3A_228 = tpu.memref_squeeze %dma_start3A_227 : memref<1x8x128xi32, #tpu.memory_space<vmem>> -> memref<8x128xi32, #tpu.memory_space<vmem>>
          %dma_start3A_229 = arith.constant 0 : i32
          %dma_start3A_230 = tpu.memref_slice %arg5[%add3A_209, %dma_start3A_229] : memref<2560x128xi32, #tpu.memory_space<hbm>> -> memref<8x128xi32, #tpu.memory_space<hbm>>
          %dma_start3A_231 = arith.constant 0 : i32
          %dma_start3A_232 = arith.constant 0 : i32
          %dma_start3A_233 = tpu.memref_slice %arg13[%sub3A_224, %dma_start3A_231, %dma_start3A_232] : memref<2x8x128xi32, #tpu.memory_space<vmem>> -> memref<1x8x128xi32, #tpu.memory_space<vmem>>
          %dma_start3A_234 = tpu.memref_squeeze %dma_start3A_233 : memref<1x8x128xi32, #tpu.memory_space<vmem>> -> memref<8x128xi32, #tpu.memory_space<vmem>>
          %dma_start3A_235 = arith.constant 0 : i32
          %dma_start3A_236 = tpu.memref_slice %arg5[%add3A_209, %dma_start3A_235] : memref<2560x128xi32, #tpu.memory_space<hbm>> -> memref<8x128xi32, #tpu.memory_space<hbm>>
          tpu.enqueue_dma source(%dma_start3A_236 : memref<8x128xi32, #tpu.memory_space<hbm>>) target(%dma_start3A_234 : memref<8x128xi32, #tpu.memory_space<vmem>>) target_semaphore(%arg22 : memref<!tpu.dma_semaphore, #tpu.memory_space<semaphore_mem>>)
        } else {
        }
        %get3A = arith.index_cast %and3A_112 : i32 to index
        %get3A_128 = arith.index_cast %and3A_116 : i32 to index
        %get3A_129 = arith.constant 0 : index
        %get3A_130 = tpu.vector_load %arg13[%get3A, %get3A_128, %get3A_129] {strides = array<i32>} : memref<2x8x128xi32, #tpu.memory_space<vmem>>, vector<16xi32>,
        tpu.vector_store_idx %arg15[%get3A_130], %broadcast_in_dim3A_27 {add = true} : memref<10240xf32, #tpu.memory_space<vmem>>[vector<16xi32>], vector<16xf32>,
        %get3A_131 = arith.index_cast %and3A_112 : i32 to index
        %get3A_132 = arith.index_cast %and3A_116 : i32 to index
        %get3A_133 = arith.constant 16 : index
        %get3A_134 = tpu.vector_load %arg13[%get3A_131, %get3A_132, %get3A_133] {strides = array<i32>} : memref<2x8x128xi32, #tpu.memory_space<vmem>>, vector<16xi32>,
        tpu.vector_store_idx %arg15[%get3A_134], %broadcast_in_dim3A_27 {add = true} : memref<10240xf32, #tpu.memory_space<vmem>>[vector<16xi32>], vector<16xf32>,
        %get3A_135 = arith.index_cast %and3A_112 : i32 to index
        %get3A_136 = arith.index_cast %and3A_116 : i32 to index
        %get3A_137 = arith.constant 32 : index
        %get3A_138 = tpu.vector_load %arg13[%get3A_135, %get3A_136, %get3A_137] {strides = array<i32>} : memref<2x8x128xi32, #tpu.memory_space<vmem>>, vector<16xi32>,
        tpu.vector_store_idx %arg15[%get3A_138], %broadcast_in_dim3A_27 {add = true} : memref<10240xf32, #tpu.memory_space<vmem>>[vector<16xi32>], vector<16xf32>,
        %get3A_139 = arith.index_cast %and3A_112 : i32 to index
        %get3A_140 = arith.index_cast %and3A_116 : i32 to index
        %get3A_141 = arith.constant 48 : index
        %get3A_142 = tpu.vector_load %arg13[%get3A_139, %get3A_140, %get3A_141] {strides = array<i32>} : memref<2x8x128xi32, #tpu.memory_space<vmem>>, vector<16xi32>,
        tpu.vector_store_idx %arg15[%get3A_142], %broadcast_in_dim3A_27 {add = true} : memref<10240xf32, #tpu.memory_space<vmem>>[vector<16xi32>], vector<16xf32>,
        %get3A_143 = arith.index_cast %and3A_112 : i32 to index
        %get3A_144 = arith.index_cast %and3A_116 : i32 to index
        %get3A_145 = arith.constant 64 : index
        %get3A_146 = tpu.vector_load %arg13[%get3A_143, %get3A_144, %get3A_145] {strides = array<i32>} : memref<2x8x128xi32, #tpu.memory_space<vmem>>, vector<16xi32>,
        tpu.vector_store_idx %arg15[%get3A_146], %broadcast_in_dim3A_27 {add = true} : memref<10240xf32, #tpu.memory_space<vmem>>[vector<16xi32>], vector<16xf32>,
        %get3A_147 = arith.index_cast %and3A_112 : i32 to index
        %get3A_148 = arith.index_cast %and3A_116 : i32 to index
        %get3A_149 = arith.constant 80 : index
        %get3A_150 = tpu.vector_load %arg13[%get3A_147, %get3A_148, %get3A_149] {strides = array<i32>} : memref<2x8x128xi32, #tpu.memory_space<vmem>>, vector<16xi32>,
        tpu.vector_store_idx %arg15[%get3A_150], %broadcast_in_dim3A_27 {add = true} : memref<10240xf32, #tpu.memory_space<vmem>>[vector<16xi32>], vector<16xf32>,
        %get3A_151 = arith.index_cast %and3A_112 : i32 to index
        %get3A_152 = arith.index_cast %and3A_116 : i32 to index
        %get3A_153 = arith.constant 96 : index
        %get3A_154 = tpu.vector_load %arg13[%get3A_151, %get3A_152, %get3A_153] {strides = array<i32>} : memref<2x8x128xi32, #tpu.memory_space<vmem>>, vector<16xi32>,
        tpu.vector_store_idx %arg15[%get3A_154], %broadcast_in_dim3A_27 {add = true} : memref<10240xf32, #tpu.memory_space<vmem>>[vector<16xi32>], vector<16xf32>,
        %get3A_155 = arith.index_cast %and3A_112 : i32 to index
        %get3A_156 = arith.index_cast %and3A_116 : i32 to index
        %get3A_157 = arith.constant 112 : index
        %get3A_158 = tpu.vector_load %arg13[%get3A_155, %get3A_156, %get3A_157] {strides = array<i32>} : memref<2x8x128xi32, #tpu.memory_space<vmem>>, vector<16xi32>,
        tpu.vector_store_idx %arg15[%get3A_158], %broadcast_in_dim3A_27 {add = true} : memref<10240xf32, #tpu.memory_space<vmem>>[vector<16xi32>], vector<16xf32>,
        %dma_wait3A = arith.constant 0 : i32
        %dma_wait3A_159 = arith.constant 0 : i32
        %dma_wait3A_160 = arith.constant 0 : i32
        %dma_wait3A_161 = tpu.memref_slice %arg14[%dma_wait3A, %dma_wait3A_159, %dma_wait3A_160] : memref<2x128x128xf32, #tpu.memory_space<vmem>> -> memref<1x128x128xf32, #tpu.memory_space<vmem>>
        %dma_wait3A_162 = tpu.memref_squeeze %dma_wait3A_161 : memref<1x128x128xf32, #tpu.memory_space<vmem>> -> memref<128x128xf32, #tpu.memory_space<vmem>>
        %dma_wait3A_163 = arith.constant 0 : i32
        %dma_wait3A_164 = arith.constant 0 : i32
        %dma_wait3A_165 = tpu.memref_slice %arg2[%dma_wait3A_163, %dma_wait3A_164] : memref<10000x128xf32, #tpu.memory_space<hbm>> -> memref<128x128xf32, #tpu.memory_space<hbm>>
        %dma_wait3A_166 = arith.constant 0 : i32
        %dma_wait3A_167 = arith.constant 0 : i32
        %dma_wait3A_168 = tpu.memref_slice %arg14[%dma_wait3A, %dma_wait3A_166, %dma_wait3A_167] : memref<2x128x128xf32, #tpu.memory_space<vmem>> -> memref<1x128x128xf32, #tpu.memory_space<vmem>>
        %dma_wait3A_169 = tpu.memref_squeeze %dma_wait3A_168 : memref<1x128x128xf32, #tpu.memory_space<vmem>> -> memref<128x128xf32, #tpu.memory_space<vmem>>
        %dma_wait3A_170 = arith.constant 0 : i32
        %dma_wait3A_171 = arith.constant 0 : i32
        %dma_wait3A_172 = tpu.memref_slice %arg2[%dma_wait3A_170, %dma_wait3A_171] : memref<10000x128xf32, #tpu.memory_space<hbm>> -> memref<128x128xf32, #tpu.memory_space<hbm>>
        tpu.wait_dma2 semaphore(%arg20 : memref<!tpu.dma_semaphore, #tpu.memory_space<semaphore_mem>>) src(%dma_wait3A_172 : memref<128x128xf32, #tpu.memory_space<hbm>>) dst(%dma_wait3A_169 : memref<128x128xf32, #tpu.memory_space<vmem>>)
        %dma_start3A_173 = arith.constant 0 : i32
        %dma_start3A_174 = arith.constant 0 : i32
        %dma_start3A_175 = tpu.memref_slice %arg14[%and3A_114, %dma_start3A_173, %dma_start3A_174] : memref<2x128x128xf32, #tpu.memory_space<vmem>> -> memref<1x128x128xf32, #tpu.memory_space<vmem>>
        %dma_start3A_176 = tpu.memref_squeeze %dma_start3A_175 : memref<1x128x128xf32, #tpu.memory_space<vmem>> -> memref<128x128xf32, #tpu.memory_space<vmem>>
        %dma_start3A_177 = arith.constant 0 : i32
        %dma_start3A_178 = tpu.memref_slice %arg13[%and3A_112, %and3A_116, %dma_start3A_177] : memref<2x8x128xi32, #tpu.memory_space<vmem>> -> memref<1x1x128xi32, #tpu.memory_space<vmem>>
        %dma_start3A_179 = tpu.memref_squeeze %dma_start3A_178 : memref<1x1x128xi32, #tpu.memory_space<vmem>> -> memref<128xi32, #tpu.memory_space<vmem>>
        %dma_start3A_180 = arith.constant 0 : i32
        %dma_start3A_181 = arith.constant 0 : i32
        %dma_start3A_182 = tpu.memref_slice %arg18[%dma_start3A_180, %dma_start3A_181] : memref<10240x128xf32, #tpu.memory_space<vmem_shared>> -> memref<10240x128xf32, #tpu.memory_space<vmem_shared>>
        tpu.enqueue_indirect_dma source(%dma_start3A_176 : memref<128x128xf32, #tpu.memory_space<vmem>>) target(%dma_start3A_182 : memref<10240x128xf32, #tpu.memory_space<vmem_shared>>) offsets(%dma_start3A_179 : memref<128xi32, #tpu.memory_space<vmem>>) semaphore(%arg21 : memref<!tpu.dma_semaphore, #tpu.memory_space<semaphore_mem>>) {add = true}
        %add3A_183 = arith.constant 1 : i32
        %add3A_184 = arith.addi %scan3A_110, %add3A_183 : i32
        %lt3A_185 = arith.constant 160 : i32
        %lt3A_186 = arith.cmpi slt, %add3A_184, %lt3A_185 : i32
        %convert_element_type3A_187 = arith.extui %lt3A_186 : i1 to i32
        %cond3A_188 = arith.constant 0 : i32
        %cond3A_189 = arith.cmpi ne, %convert_element_type3A_187, %cond3A_188 : i32
        scf.if %cond3A_189 {
          %shift_right_logical3A_205 = arith.constant 3 : i32
          %shift_right_logical3A_206 = arith.shrui %add3A_184, %shift_right_logical3A_205 : i32
          %and3A_207 = arith.constant 1 : i32
          %and3A_208 = arith.andi %shift_right_logical3A_206, %and3A_207 : i32
          %and3A_209 = arith.constant 7 : i32
          %and3A_210 = arith.andi %add3A_184, %and3A_209 : i32
          %eq3A_211 = arith.constant 0 : i32
          %eq3A_212 = arith.cmpi eq, %and3A_210, %eq3A_211 : i32
          %convert_element_type3A_213 = arith.extui %eq3A_212 : i1 to i32
          %cond3A_214 = arith.constant 0 : i32
          %cond3A_215 = arith.cmpi ne, %convert_element_type3A_213, %cond3A_214 : i32
          scf.if %cond3A_215 {
            %dma_wait3A_228 = arith.constant 0 : i32
            %dma_wait3A_229 = arith.constant 0 : i32
            %dma_wait3A_230 = arith.constant 0 : i32
            %dma_wait3A_231 = tpu.memref_slice %arg12[%dma_wait3A_228, %dma_wait3A_229, %dma_wait3A_230] : memref<2x8x128xi32, #tpu.memory_space<vmem>> -> memref<1x8x128xi32, #tpu.memory_space<vmem>>
            %dma_wait3A_232 = tpu.memref_squeeze %dma_wait3A_231 : memref<1x8x128xi32, #tpu.memory_space<vmem>> -> memref<8x128xi32, #tpu.memory_space<vmem>>
            %dma_wait3A_233 = arith.constant 0 : i32
            %dma_wait3A_234 = arith.constant 0 : i32
            %dma_wait3A_235 = tpu.memref_slice %arg4[%dma_wait3A_233, %dma_wait3A_234] : memref<2560x128xi32, #tpu.memory_space<hbm>> -> memref<8x128xi32, #tpu.memory_space<hbm>>
            %dma_wait3A_236 = arith.constant 0 : i32
            %dma_wait3A_237 = arith.constant 0 : i32
            %dma_wait3A_238 = tpu.memref_slice %arg12[%dma_wait3A_228, %dma_wait3A_236, %dma_wait3A_237] : memref<2x8x128xi32, #tpu.memory_space<vmem>> -> memref<1x8x128xi32, #tpu.memory_space<vmem>>
            %dma_wait3A_239 = tpu.memref_squeeze %dma_wait3A_238 : memref<1x8x128xi32, #tpu.memory_space<vmem>> -> memref<8x128xi32, #tpu.memory_space<vmem>>
            %dma_wait3A_240 = arith.constant 0 : i32
            %dma_wait3A_241 = arith.constant 0 : i32
            %dma_wait3A_242 = tpu.memref_slice %arg4[%dma_wait3A_240, %dma_wait3A_241] : memref<2560x128xi32, #tpu.memory_space<hbm>> -> memref<8x128xi32, #tpu.memory_space<hbm>>
            tpu.wait_dma2 semaphore(%arg22 : memref<!tpu.dma_semaphore, #tpu.memory_space<semaphore_mem>>) src(%dma_wait3A_242 : memref<8x128xi32, #tpu.memory_space<hbm>>) dst(%dma_wait3A_239 : memref<8x128xi32, #tpu.memory_space<vmem>>)
            %dma_wait3A_243 = arith.constant 0 : i32
            %dma_wait3A_244 = arith.constant 0 : i32
            %dma_wait3A_245 = arith.constant 0 : i32
            %dma_wait3A_246 = tpu.memref_slice %arg13[%dma_wait3A_243, %dma_wait3A_244, %dma_wait3A_245] : memref<2x8x128xi32, #tpu.memory_space<vmem>> -> memref<1x8x128xi32, #tpu.memory_space<vmem>>
            %dma_wait3A_247 = tpu.memref_squeeze %dma_wait3A_246 : memref<1x8x128xi32, #tpu.memory_space<vmem>> -> memref<8x128xi32, #tpu.memory_space<vmem>>
            %dma_wait3A_248 = arith.constant 0 : i32
            %dma_wait3A_249 = arith.constant 0 : i32
            %dma_wait3A_250 = tpu.memref_slice %arg5[%dma_wait3A_248, %dma_wait3A_249] : memref<2560x128xi32, #tpu.memory_space<hbm>> -> memref<8x128xi32, #tpu.memory_space<hbm>>
            %dma_wait3A_251 = arith.constant 0 : i32
            %dma_wait3A_252 = arith.constant 0 : i32
            %dma_wait3A_253 = tpu.memref_slice %arg13[%dma_wait3A_243, %dma_wait3A_251, %dma_wait3A_252] : memref<2x8x128xi32, #tpu.memory_space<vmem>> -> memref<1x8x128xi32, #tpu.memory_space<vmem>>
            %dma_wait3A_254 = tpu.memref_squeeze %dma_wait3A_253 : memref<1x8x128xi32, #tpu.memory_space<vmem>> -> memref<8x128xi32, #tpu.memory_space<vmem>>
            %dma_wait3A_255 = arith.constant 0 : i32
            %dma_wait3A_256 = arith.constant 0 : i32
            %dma_wait3A_257 = tpu.memref_slice %arg5[%dma_wait3A_255, %dma_wait3A_256] : memref<2560x128xi32, #tpu.memory_space<hbm>> -> memref<8x128xi32, #tpu.memory_space<hbm>>
            tpu.wait_dma2 semaphore(%arg22 : memref<!tpu.dma_semaphore, #tpu.memory_space<semaphore_mem>>) src(%dma_wait3A_257 : memref<8x128xi32, #tpu.memory_space<hbm>>) dst(%dma_wait3A_254 : memref<8x128xi32, #tpu.memory_space<vmem>>)
          } else {
          }
          %and3A_216 = arith.constant 1 : i32
          %and3A_217 = arith.andi %add3A_184, %and3A_216 : i32
          %dma_start3A_218 = arith.constant 0 : i32
          %dma_start3A_219 = arith.constant 0 : i32
          %dma_start3A_220 = tpu.memref_slice %arg14[%and3A_217, %dma_start3A_218, %dma_start3A_219] : memref<2x128x128xf32, #tpu.memory_space<vmem>> -> memref<1x128x128xf32, #tpu.memory_space<vmem>>
          %dma_start3A_221 = tpu.memref_squeeze %dma_start3A_220 : memref<1x128x128xf32, #tpu.memory_space<vmem>> -> memref<128x128xf32, #tpu.memory_space<vmem>>
          %dma_start3A_222 = arith.constant 0 : i32
          %dma_start3A_223 = tpu.memref_slice %arg12[%and3A_208, %and3A_210, %dma_start3A_222] : memref<2x8x128xi32, #tpu.memory_space<vmem>> -> memref<1x1x128xi32, #tpu.memory_space<vmem>>
          %dma_start3A_224 = tpu.memref_squeeze %dma_start3A_223 : memref<1x1x128xi32, #tpu.memory_space<vmem>> -> memref<128xi32, #tpu.memory_space<vmem>>
          %dma_start3A_225 = arith.constant 0 : i32
          %dma_start3A_226 = arith.constant 0 : i32
          %dma_start3A_227 = tpu.memref_slice %arg2[%dma_start3A_225, %dma_start3A_226] : memref<10000x128xf32, #tpu.memory_space<hbm>> -> memref<10000x128xf32, #tpu.memory_space<hbm>>
          tpu.enqueue_indirect_dma source(%dma_start3A_227 : memref<10000x128xf32, #tpu.memory_space<hbm>>) target(%dma_start3A_221 : memref<128x128xf32, #tpu.memory_space<vmem>>) offsets(%dma_start3A_224 : memref<128xi32, #tpu.memory_space<vmem>>) semaphore(%arg20 : memref<!tpu.dma_semaphore, #tpu.memory_space<semaphore_mem>>)
        } else {
        }
        %dma_wait3A_190 = arith.constant 0 : i32
        %dma_wait3A_191 = arith.constant 0 : i32
        %dma_wait3A_192 = arith.constant 0 : i32
        %dma_wait3A_193 = tpu.memref_slice %arg14[%dma_wait3A_190, %dma_wait3A_191, %dma_wait3A_192] : memref<2x128x128xf32, #tpu.memory_space<vmem>> -> memref<1x128x128xf32, #tpu.memory_space<vmem>>
        %dma_wait3A_194 = tpu.memref_squeeze %dma_wait3A_193 : memref<1x128x128xf32, #tpu.memory_space<vmem>> -> memref<128x128xf32, #tpu.memory_space<vmem>>
        %dma_wait3A_195 = arith.constant 0 : i32
        %dma_wait3A_196 = arith.constant 0 : i32
        %dma_wait3A_197 = tpu.memref_slice %arg18[%dma_wait3A_195, %dma_wait3A_196] : memref<10240x128xf32, #tpu.memory_space<vmem_shared>> -> memref<128x128xf32, #tpu.memory_space<vmem_shared>>
        %dma_wait3A_198 = arith.constant 0 : i32
        %dma_wait3A_199 = arith.constant 0 : i32
        %dma_wait3A_200 = tpu.memref_slice %arg18[%dma_wait3A_198, %dma_wait3A_199] : memref<10240x128xf32, #tpu.memory_space<vmem_shared>> -> memref<128x128xf32, #tpu.memory_space<vmem_shared>>
        %dma_wait3A_201 = arith.constant 0 : i32
        %dma_wait3A_202 = arith.constant 0 : i32
        %dma_wait3A_203 = tpu.memref_slice %arg14[%dma_wait3A_190, %dma_wait3A_201, %dma_wait3A_202] : memref<2x128x128xf32, #tpu.memory_space<vmem>> -> memref<1x128x128xf32, #tpu.memory_space<vmem>>
        %dma_wait3A_204 = tpu.memref_squeeze %dma_wait3A_203 : memref<1x128x128xf32, #tpu.memory_space<vmem>> -> memref<128x128xf32, #tpu.memory_space<vmem>>
        tpu.wait_dma2 semaphore(%arg21 : memref<!tpu.dma_semaphore, #tpu.memory_space<semaphore_mem>>) src(%dma_wait3A_204 : memref<128x128xf32, #tpu.memory_space<vmem>>) dst(%dma_wait3A_200 : memref<128x128xf32, #tpu.memory_space<vmem_shared>>)
      }
      %scan3A_109 = arith.constant 160 : i32
    } else {
    }
    %eq3A_32 = arith.constant 1 : i32
    %eq3A_33 = arith.cmpi eq, %arg0, %eq3A_32 : i32
    %convert_element_type3A_34 = arith.extui %eq3A_33 : i1 to i32
    %cond3A_35 = arith.constant 0 : i32
    %cond3A_36 = arith.cmpi ne, %convert_element_type3A_34, %cond3A_35 : i32
    scf.if %cond3A_36 {
      %run_scoped3A_60 = arith.constant 0 : i32
      "tpu.region"() ({
        %run_scoped3A_110 = tpu.sem_alloc : memref<!tpu.dma_semaphore, #tpu.memory_space<semaphore_mem>>
        %dma_start3A_111 = arith.constant 0 : i32
        %dma_start3A_112 = arith.constant 0 : i32
        %dma_start3A_113 = tpu.memref_slice %arg12[%run_scoped3A_60, %dma_start3A_111, %dma_start3A_112] : memref<2x8x128xi32, #tpu.memory_space<vmem>> -> memref<1x8x128xi32, #tpu.memory_space<vmem>>
        %dma_start3A_114 = tpu.memref_squeeze %dma_start3A_113 : memref<1x8x128xi32, #tpu.memory_space<vmem>> -> memref<8x128xi32, #tpu.memory_space<vmem>>
        %dma_start3A_115 = arith.constant 0 : i32
        %dma_start3A_116 = tpu.memref_slice %arg6[%mul3A_29, %dma_start3A_115] : memref<2560x128xi32, #tpu.memory_space<hbm>> -> memref<8x128xi32, #tpu.memory_space<hbm>>
        %dma_start3A_117 = arith.constant 0 : i32
        %dma_start3A_118 = arith.constant 0 : i32
        %dma_start3A_119 = tpu.memref_slice %arg12[%run_scoped3A_60, %dma_start3A_117, %dma_start3A_118] : memref<2x8x128xi32, #tpu.memory_space<vmem>> -> memref<1x8x128xi32, #tpu.memory_space<vmem>>
        %dma_start3A_120 = tpu.memref_squeeze %dma_start3A_119 : memref<1x8x128xi32, #tpu.memory_space<vmem>> -> memref<8x128xi32, #tpu.memory_space<vmem>>
        %dma_start3A_121 = arith.constant 0 : i32
        %dma_start3A_122 = tpu.memref_slice %arg6[%mul3A_29, %dma_start3A_121] : memref<2560x128xi32, #tpu.memory_space<hbm>> -> memref<8x128xi32, #tpu.memory_space<hbm>>
        tpu.enqueue_dma source(%dma_start3A_122 : memref<8x128xi32, #tpu.memory_space<hbm>>) target(%dma_start3A_120 : memref<8x128xi32, #tpu.memory_space<vmem>>) target_semaphore(%run_scoped3A_110 : memref<!tpu.dma_semaphore, #tpu.memory_space<semaphore_mem>>)
        %dma_wait3A = arith.constant 0 : i32
        %dma_wait3A_123 = arith.constant 0 : i32
        %dma_wait3A_124 = tpu.memref_slice %arg12[%run_scoped3A_60, %dma_wait3A, %dma_wait3A_123] : memref<2x8x128xi32, #tpu.memory_space<vmem>> -> memref<1x8x128xi32, #tpu.memory_space<vmem>>
        %dma_wait3A_125 = tpu.memref_squeeze %dma_wait3A_124 : memref<1x8x128xi32, #tpu.memory_space<vmem>> -> memref<8x128xi32, #tpu.memory_space<vmem>>
        %dma_wait3A_126 = arith.constant 0 : i32
        %dma_wait3A_127 = tpu.memref_slice %arg6[%mul3A_29, %dma_wait3A_126] : memref<2560x128xi32, #tpu.memory_space<hbm>> -> memref<8x128xi32, #tpu.memory_space<hbm>>
        %dma_wait3A_128 = arith.constant 0 : i32
        %dma_wait3A_129 = arith.constant 0 : i32
        %dma_wait3A_130 = tpu.memref_slice %arg12[%run_scoped3A_60, %dma_wait3A_128, %dma_wait3A_129] : memref<2x8x128xi32, #tpu.memory_space<vmem>> -> memref<1x8x128xi32, #tpu.memory_space<vmem>>
        %dma_wait3A_131 = tpu.memref_squeeze %dma_wait3A_130 : memref<1x8x128xi32, #tpu.memory_space<vmem>> -> memref<8x128xi32, #tpu.memory_space<vmem>>
        %dma_wait3A_132 = arith.constant 0 : i32
        %dma_wait3A_133 = tpu.memref_slice %arg6[%mul3A_29, %dma_wait3A_132] : memref<2560x128xi32, #tpu.memory_space<hbm>> -> memref<8x128xi32, #tpu.memory_space<hbm>>
        tpu.wait_dma2 semaphore(%run_scoped3A_110 : memref<!tpu.dma_semaphore, #tpu.memory_space<semaphore_mem>>) src(%dma_wait3A_133 : memref<8x128xi32, #tpu.memory_space<hbm>>) dst(%dma_wait3A_131 : memref<8x128xi32, #tpu.memory_space<vmem>>)
        tpu.yield
      }) : () -> ()
      %run_scoped3A_61 = arith.constant 0 : i32
      "tpu.region"() ({
        %run_scoped3A_110 = tpu.sem_alloc : memref<!tpu.dma_semaphore, #tpu.memory_space<semaphore_mem>>
        %dma_start3A_111 = arith.constant 0 : i32
        %dma_start3A_112 = arith.constant 0 : i32
        %dma_start3A_113 = tpu.memref_slice %arg13[%run_scoped3A_61, %dma_start3A_111, %dma_start3A_112] : memref<2x8x128xi32, #tpu.memory_space<vmem>> -> memref<1x8x128xi32, #tpu.memory_space<vmem>>
        %dma_start3A_114 = tpu.memref_squeeze %dma_start3A_113 : memref<1x8x128xi32, #tpu.memory_space<vmem>> -> memref<8x128xi32, #tpu.memory_space<vmem>>
        %dma_start3A_115 = arith.constant 0 : i32
        %dma_start3A_116 = tpu.memref_slice %arg7[%mul3A_29, %dma_start3A_115] : memref<2560x128xi32, #tpu.memory_space<hbm>> -> memref<8x128xi32, #tpu.memory_space<hbm>>
        %dma_start3A_117 = arith.constant 0 : i32
        %dma_start3A_118 = arith.constant 0 : i32
        %dma_start3A_119 = tpu.memref_slice %arg13[%run_scoped3A_61, %dma_start3A_117, %dma_start3A_118] : memref<2x8x128xi32, #tpu.memory_space<vmem>> -> memref<1x8x128xi32, #tpu.memory_space<vmem>>
        %dma_start3A_120 = tpu.memref_squeeze %dma_start3A_119 : memref<1x8x128xi32, #tpu.memory_space<vmem>> -> memref<8x128xi32, #tpu.memory_space<vmem>>
        %dma_start3A_121 = arith.constant 0 : i32
        %dma_start3A_122 = tpu.memref_slice %arg7[%mul3A_29, %dma_start3A_121] : memref<2560x128xi32, #tpu.memory_space<hbm>> -> memref<8x128xi32, #tpu.memory_space<hbm>>
        tpu.enqueue_dma source(%dma_start3A_122 : memref<8x128xi32, #tpu.memory_space<hbm>>) target(%dma_start3A_120 : memref<8x128xi32, #tpu.memory_space<vmem>>) target_semaphore(%run_scoped3A_110 : memref<!tpu.dma_semaphore, #tpu.memory_space<semaphore_mem>>)
        %dma_wait3A = arith.constant 0 : i32
        %dma_wait3A_123 = arith.constant 0 : i32
        %dma_wait3A_124 = tpu.memref_slice %arg13[%run_scoped3A_61, %dma_wait3A, %dma_wait3A_123] : memref<2x8x128xi32, #tpu.memory_space<vmem>> -> memref<1x8x128xi32, #tpu.memory_space<vmem>>
        %dma_wait3A_125 = tpu.memref_squeeze %dma_wait3A_124 : memref<1x8x128xi32, #tpu.memory_space<vmem>> -> memref<8x128xi32, #tpu.memory_space<vmem>>
        %dma_wait3A_126 = arith.constant 0 : i32
        %dma_wait3A_127 = tpu.memref_slice %arg7[%mul3A_29, %dma_wait3A_126] : memref<2560x128xi32, #tpu.memory_space<hbm>> -> memref<8x128xi32, #tpu.memory_space<hbm>>
        %dma_wait3A_128 = arith.constant 0 : i32
        %dma_wait3A_129 = arith.constant 0 : i32
        %dma_wait3A_130 = tpu.memref_slice %arg13[%run_scoped3A_61, %dma_wait3A_128, %dma_wait3A_129] : memref<2x8x128xi32, #tpu.memory_space<vmem>> -> memref<1x8x128xi32, #tpu.memory_space<vmem>>
        %dma_wait3A_131 = tpu.memref_squeeze %dma_wait3A_130 : memref<1x8x128xi32, #tpu.memory_space<vmem>> -> memref<8x128xi32, #tpu.memory_space<vmem>>
        %dma_wait3A_132 = arith.constant 0 : i32
        %dma_wait3A_133 = tpu.memref_slice %arg7[%mul3A_29, %dma_wait3A_132] : memref<2560x128xi32, #tpu.memory_space<hbm>> -> memref<8x128xi32, #tpu.memory_space<hbm>>
        tpu.wait_dma2 semaphore(%run_scoped3A_110 : memref<!tpu.dma_semaphore, #tpu.memory_space<semaphore_mem>>) src(%dma_wait3A_133 : memref<8x128xi32, #tpu.memory_space<hbm>>) dst(%dma_wait3A_131 : memref<8x128xi32, #tpu.memory_space<vmem>>)
        tpu.yield
      }) : () -> ()
      %add3A_62 = arith.constant 8 : i32
      %add3A_63 = arith.addi %mul3A_29, %add3A_62 : i32
      %dma_start3A = arith.constant 1 : i32
      %dma_start3A_64 = arith.constant 0 : i32
      %dma_start3A_65 = arith.constant 0 : i32
      %dma_start3A_66 = tpu.memref_slice %arg12[%dma_start3A, %dma_start3A_64, %dma_start3A_65] : memref<2x8x128xi32, #tpu.memory_space<vmem>> -> memref<1x8x128xi32, #tpu.memory_space<vmem>>
      %dma_start3A_67 = tpu.memref_squeeze %dma_start3A_66 : memref<1x8x128xi32, #tpu.memory_space<vmem>> -> memref<8x128xi32, #tpu.memory_space<vmem>>
      %dma_start3A_68 = arith.constant 0 : i32
      %dma_start3A_69 = tpu.memref_slice %arg6[%add3A_63, %dma_start3A_68] : memref<2560x128xi32, #tpu.memory_space<hbm>> -> memref<8x128xi32, #tpu.memory_space<hbm>>
      %dma_start3A_70 = arith.constant 0 : i32
      %dma_start3A_71 = arith.constant 0 : i32
      %dma_start3A_72 = tpu.memref_slice %arg12[%dma_start3A, %dma_start3A_70, %dma_start3A_71] : memref<2x8x128xi32, #tpu.memory_space<vmem>> -> memref<1x8x128xi32, #tpu.memory_space<vmem>>
      %dma_start3A_73 = tpu.memref_squeeze %dma_start3A_72 : memref<1x8x128xi32, #tpu.memory_space<vmem>> -> memref<8x128xi32, #tpu.memory_space<vmem>>
      %dma_start3A_74 = arith.constant 0 : i32
      %dma_start3A_75 = tpu.memref_slice %arg6[%add3A_63, %dma_start3A_74] : memref<2560x128xi32, #tpu.memory_space<hbm>> -> memref<8x128xi32, #tpu.memory_space<hbm>>
      tpu.enqueue_dma source(%dma_start3A_75 : memref<8x128xi32, #tpu.memory_space<hbm>>) target(%dma_start3A_73 : memref<8x128xi32, #tpu.memory_space<vmem>>) target_semaphore(%arg22 : memref<!tpu.dma_semaphore, #tpu.memory_space<semaphore_mem>>)
      %add3A_76 = arith.constant 8 : i32
      %add3A_77 = arith.addi %mul3A_29, %add3A_76 : i32
      %dma_start3A_78 = arith.constant 1 : i32
      %dma_start3A_79 = arith.constant 0 : i32
      %dma_start3A_80 = arith.constant 0 : i32
      %dma_start3A_81 = tpu.memref_slice %arg13[%dma_start3A_78, %dma_start3A_79, %dma_start3A_80] : memref<2x8x128xi32, #tpu.memory_space<vmem>> -> memref<1x8x128xi32, #tpu.memory_space<vmem>>
      %dma_start3A_82 = tpu.memref_squeeze %dma_start3A_81 : memref<1x8x128xi32, #tpu.memory_space<vmem>> -> memref<8x128xi32, #tpu.memory_space<vmem>>
      %dma_start3A_83 = arith.constant 0 : i32
      %dma_start3A_84 = tpu.memref_slice %arg7[%add3A_77, %dma_start3A_83] : memref<2560x128xi32, #tpu.memory_space<hbm>> -> memref<8x128xi32, #tpu.memory_space<hbm>>
      %dma_start3A_85 = arith.constant 0 : i32
      %dma_start3A_86 = arith.constant 0 : i32
      %dma_start3A_87 = tpu.memref_slice %arg13[%dma_start3A_78, %dma_start3A_85, %dma_start3A_86] : memref<2x8x128xi32, #tpu.memory_space<vmem>> -> memref<1x8x128xi32, #tpu.memory_space<vmem>>
      %dma_start3A_88 = tpu.memref_squeeze %dma_start3A_87 : memref<1x8x128xi32, #tpu.memory_space<vmem>> -> memref<8x128xi32, #tpu.memory_space<vmem>>
      %dma_start3A_89 = arith.constant 0 : i32
      %dma_start3A_90 = tpu.memref_slice %arg7[%add3A_77, %dma_start3A_89] : memref<2560x128xi32, #tpu.memory_space<hbm>> -> memref<8x128xi32, #tpu.memory_space<hbm>>
      tpu.enqueue_dma source(%dma_start3A_90 : memref<8x128xi32, #tpu.memory_space<hbm>>) target(%dma_start3A_88 : memref<8x128xi32, #tpu.memory_space<vmem>>) target_semaphore(%arg22 : memref<!tpu.dma_semaphore, #tpu.memory_space<semaphore_mem>>)
      %dma_start3A_91 = arith.constant 0 : i32
      %dma_start3A_92 = arith.constant 0 : i32
      %dma_start3A_93 = arith.constant 0 : i32
      %dma_start3A_94 = arith.constant 0 : i32
      %dma_start3A_95 = arith.constant 0 : i32
      %dma_start3A_96 = tpu.memref_slice %arg14[%dma_start3A_93, %dma_start3A_94, %dma_start3A_95] : memref<2x128x128xf32, #tpu.memory_space<vmem>> -> memref<1x128x128xf32, #tpu.memory_space<vmem>>
      %dma_start3A_97 = tpu.memref_squeeze %dma_start3A_96 : memref<1x128x128xf32, #tpu.memory_space<vmem>> -> memref<128x128xf32, #tpu.memory_space<vmem>>
      %dma_start3A_98 = arith.constant 0 : i32
      %dma_start3A_99 = tpu.memref_slice %arg12[%dma_start3A_91, %dma_start3A_92, %dma_start3A_98] : memref<2x8x128xi32, #tpu.memory_space<vmem>> -> memref<1x1x128xi32, #tpu.memory_space<vmem>>
      %dma_start3A_100 = tpu.memref_squeeze %dma_start3A_99 : memref<1x1x128xi32, #tpu.memory_space<vmem>> -> memref<128xi32, #tpu.memory_space<vmem>>
      %dma_start3A_101 = arith.constant 0 : i32
      %dma_start3A_102 = arith.constant 0 : i32
      %dma_start3A_103 = tpu.memref_slice %arg3[%dma_start3A_101, %dma_start3A_102] : memref<10000x128xf32, #tpu.memory_space<hbm>> -> memref<10000x128xf32, #tpu.memory_space<hbm>>
      tpu.enqueue_indirect_dma source(%dma_start3A_103 : memref<10000x128xf32, #tpu.memory_space<hbm>>) target(%dma_start3A_97 : memref<128x128xf32, #tpu.memory_space<vmem>>) offsets(%dma_start3A_100 : memref<128xi32, #tpu.memory_space<vmem>>) semaphore(%arg20 : memref<!tpu.dma_semaphore, #tpu.memory_space<semaphore_mem>>)
      %scan3A_104 = arith.constant 0 : i32
      %scan3A_105 = arith.constant 0 : i32
      %scan3A_106 = arith.constant 160 : i32
      %scan3A_107 = arith.addi %scan3A_105, %scan3A_106 : i32
      %scan3A_108 = arith.constant 1 : i32
      scf.for %scan3A_110 = %scan3A_105 to %scan3A_107 step %scan3A_108  : i32 {
        %shift_right_logical3A = arith.constant 3 : i32
        %shift_right_logical3A_111 = arith.shrui %scan3A_110, %shift_right_logical3A : i32
        %and3A = arith.constant 1 : i32
        %and3A_112 = arith.andi %shift_right_logical3A_111, %and3A : i32
        %and3A_113 = arith.constant 1 : i32
        %and3A_114 = arith.andi %scan3A_110, %and3A_113 : i32
        %and3A_115 = arith.constant 7 : i32
        %and3A_116 = arith.andi %scan3A_110, %and3A_115 : i32
        %eq3A_117 = arith.constant 0 : i32
        %eq3A_118 = arith.cmpi eq, %and3A_116, %eq3A_117 : i32
        %ge3A = arith.constant 1 : i32
        %ge3A_119 = arith.cmpi sge, %shift_right_logical3A_111, %ge3A : i32
        %add3A_120 = arith.constant 1 : i32
        %add3A_121 = arith.addi %shift_right_logical3A_111, %add3A_120 : i32
        %lt3A = arith.constant 20 : i32
        %lt3A_122 = arith.cmpi slt, %add3A_121, %lt3A : i32
        %and3A_123 = arith.andi %ge3A_119, %lt3A_122 : i1
        %and3A_124 = arith.andi %eq3A_118, %and3A_123 : i1
        %convert_element_type3A_125 = arith.extui %and3A_124 : i1 to i32
        %cond3A_126 = arith.constant 0 : i32
        %cond3A_127 = arith.cmpi ne, %convert_element_type3A_125, %cond3A_126 : i32
        scf.if %cond3A_127 {
          %add3A_205 = arith.constant 1 : i32
          %add3A_206 = arith.addi %shift_right_logical3A_111, %add3A_205 : i32
          %mul3A_207 = arith.constant 8 : i32
          %mul3A_208 = arith.muli %add3A_206, %mul3A_207 : i32
          %add3A_209 = arith.addi %mul3A_29, %mul3A_208 : i32
          %sub3A = arith.constant 1 : i32
          %sub3A_210 = arith.subi %sub3A, %and3A_112 : i32
          %dma_start3A_211 = arith.constant 0 : i32
          %dma_start3A_212 = arith.constant 0 : i32
          %dma_start3A_213 = tpu.memref_slice %arg12[%sub3A_210, %dma_start3A_211, %dma_start3A_212] : memref<2x8x128xi32, #tpu.memory_space<vmem>> -> memref<1x8x128xi32, #tpu.memory_space<vmem>>
          %dma_start3A_214 = tpu.memref_squeeze %dma_start3A_213 : memref<1x8x128xi32, #tpu.memory_space<vmem>> -> memref<8x128xi32, #tpu.memory_space<vmem>>
          %dma_start3A_215 = arith.constant 0 : i32
          %dma_start3A_216 = tpu.memref_slice %arg6[%add3A_209, %dma_start3A_215] : memref<2560x128xi32, #tpu.memory_space<hbm>> -> memref<8x128xi32, #tpu.memory_space<hbm>>
          %dma_start3A_217 = arith.constant 0 : i32
          %dma_start3A_218 = arith.constant 0 : i32
          %dma_start3A_219 = tpu.memref_slice %arg12[%sub3A_210, %dma_start3A_217, %dma_start3A_218] : memref<2x8x128xi32, #tpu.memory_space<vmem>> -> memref<1x8x128xi32, #tpu.memory_space<vmem>>
          %dma_start3A_220 = tpu.memref_squeeze %dma_start3A_219 : memref<1x8x128xi32, #tpu.memory_space<vmem>> -> memref<8x128xi32, #tpu.memory_space<vmem>>
          %dma_start3A_221 = arith.constant 0 : i32
          %dma_start3A_222 = tpu.memref_slice %arg6[%add3A_209, %dma_start3A_221] : memref<2560x128xi32, #tpu.memory_space<hbm>> -> memref<8x128xi32, #tpu.memory_space<hbm>>
          tpu.enqueue_dma source(%dma_start3A_222 : memref<8x128xi32, #tpu.memory_space<hbm>>) target(%dma_start3A_220 : memref<8x128xi32, #tpu.memory_space<vmem>>) target_semaphore(%arg22 : memref<!tpu.dma_semaphore, #tpu.memory_space<semaphore_mem>>)
          %sub3A_223 = arith.constant 1 : i32
          %sub3A_224 = arith.subi %sub3A_223, %and3A_112 : i32
          %dma_start3A_225 = arith.constant 0 : i32
          %dma_start3A_226 = arith.constant 0 : i32
          %dma_start3A_227 = tpu.memref_slice %arg13[%sub3A_224, %dma_start3A_225, %dma_start3A_226] : memref<2x8x128xi32, #tpu.memory_space<vmem>> -> memref<1x8x128xi32, #tpu.memory_space<vmem>>
          %dma_start3A_228 = tpu.memref_squeeze %dma_start3A_227 : memref<1x8x128xi32, #tpu.memory_space<vmem>> -> memref<8x128xi32, #tpu.memory_space<vmem>>
          %dma_start3A_229 = arith.constant 0 : i32
          %dma_start3A_230 = tpu.memref_slice %arg7[%add3A_209, %dma_start3A_229] : memref<2560x128xi32, #tpu.memory_space<hbm>> -> memref<8x128xi32, #tpu.memory_space<hbm>>
          %dma_start3A_231 = arith.constant 0 : i32
          %dma_start3A_232 = arith.constant 0 : i32
          %dma_start3A_233 = tpu.memref_slice %arg13[%sub3A_224, %dma_start3A_231, %dma_start3A_232] : memref<2x8x128xi32, #tpu.memory_space<vmem>> -> memref<1x8x128xi32, #tpu.memory_space<vmem>>
          %dma_start3A_234 = tpu.memref_squeeze %dma_start3A_233 : memref<1x8x128xi32, #tpu.memory_space<vmem>> -> memref<8x128xi32, #tpu.memory_space<vmem>>
          %dma_start3A_235 = arith.constant 0 : i32
          %dma_start3A_236 = tpu.memref_slice %arg7[%add3A_209, %dma_start3A_235] : memref<2560x128xi32, #tpu.memory_space<hbm>> -> memref<8x128xi32, #tpu.memory_space<hbm>>
          tpu.enqueue_dma source(%dma_start3A_236 : memref<8x128xi32, #tpu.memory_space<hbm>>) target(%dma_start3A_234 : memref<8x128xi32, #tpu.memory_space<vmem>>) target_semaphore(%arg22 : memref<!tpu.dma_semaphore, #tpu.memory_space<semaphore_mem>>)
        } else {
        }
        %get3A = arith.index_cast %and3A_112 : i32 to index
        %get3A_128 = arith.index_cast %and3A_116 : i32 to index
        %get3A_129 = arith.constant 0 : index
        %get3A_130 = tpu.vector_load %arg13[%get3A, %get3A_128, %get3A_129] {strides = array<i32>} : memref<2x8x128xi32, #tpu.memory_space<vmem>>, vector<16xi32>,
        tpu.vector_store_idx %arg15[%get3A_130], %broadcast_in_dim3A_27 {add = true} : memref<10240xf32, #tpu.memory_space<vmem>>[vector<16xi32>], vector<16xf32>,
        %get3A_131 = arith.index_cast %and3A_112 : i32 to index
        %get3A_132 = arith.index_cast %and3A_116 : i32 to index
        %get3A_133 = arith.constant 16 : index
        %get3A_134 = tpu.vector_load %arg13[%get3A_131, %get3A_132, %get3A_133] {strides = array<i32>} : memref<2x8x128xi32, #tpu.memory_space<vmem>>, vector<16xi32>,
        tpu.vector_store_idx %arg15[%get3A_134], %broadcast_in_dim3A_27 {add = true} : memref<10240xf32, #tpu.memory_space<vmem>>[vector<16xi32>], vector<16xf32>,
        %get3A_135 = arith.index_cast %and3A_112 : i32 to index
        %get3A_136 = arith.index_cast %and3A_116 : i32 to index
        %get3A_137 = arith.constant 32 : index
        %get3A_138 = tpu.vector_load %arg13[%get3A_135, %get3A_136, %get3A_137] {strides = array<i32>} : memref<2x8x128xi32, #tpu.memory_space<vmem>>, vector<16xi32>,
        tpu.vector_store_idx %arg15[%get3A_138], %broadcast_in_dim3A_27 {add = true} : memref<10240xf32, #tpu.memory_space<vmem>>[vector<16xi32>], vector<16xf32>,
        %get3A_139 = arith.index_cast %and3A_112 : i32 to index
        %get3A_140 = arith.index_cast %and3A_116 : i32 to index
        %get3A_141 = arith.constant 48 : index
        %get3A_142 = tpu.vector_load %arg13[%get3A_139, %get3A_140, %get3A_141] {strides = array<i32>} : memref<2x8x128xi32, #tpu.memory_space<vmem>>, vector<16xi32>,
        tpu.vector_store_idx %arg15[%get3A_142], %broadcast_in_dim3A_27 {add = true} : memref<10240xf32, #tpu.memory_space<vmem>>[vector<16xi32>], vector<16xf32>,
        %get3A_143 = arith.index_cast %and3A_112 : i32 to index
        %get3A_144 = arith.index_cast %and3A_116 : i32 to index
        %get3A_145 = arith.constant 64 : index
        %get3A_146 = tpu.vector_load %arg13[%get3A_143, %get3A_144, %get3A_145] {strides = array<i32>} : memref<2x8x128xi32, #tpu.memory_space<vmem>>, vector<16xi32>,
        tpu.vector_store_idx %arg15[%get3A_146], %broadcast_in_dim3A_27 {add = true} : memref<10240xf32, #tpu.memory_space<vmem>>[vector<16xi32>], vector<16xf32>,
        %get3A_147 = arith.index_cast %and3A_112 : i32 to index
        %get3A_148 = arith.index_cast %and3A_116 : i32 to index
        %get3A_149 = arith.constant 80 : index
        %get3A_150 = tpu.vector_load %arg13[%get3A_147, %get3A_148, %get3A_149] {strides = array<i32>} : memref<2x8x128xi32, #tpu.memory_space<vmem>>, vector<16xi32>,
        tpu.vector_store_idx %arg15[%get3A_150], %broadcast_in_dim3A_27 {add = true} : memref<10240xf32, #tpu.memory_space<vmem>>[vector<16xi32>], vector<16xf32>,
        %get3A_151 = arith.index_cast %and3A_112 : i32 to index
        %get3A_152 = arith.index_cast %and3A_116 : i32 to index
        %get3A_153 = arith.constant 96 : index
        %get3A_154 = tpu.vector_load %arg13[%get3A_151, %get3A_152, %get3A_153] {strides = array<i32>} : memref<2x8x128xi32, #tpu.memory_space<vmem>>, vector<16xi32>,
        tpu.vector_store_idx %arg15[%get3A_154], %broadcast_in_dim3A_27 {add = true} : memref<10240xf32, #tpu.memory_space<vmem>>[vector<16xi32>], vector<16xf32>,
        %get3A_155 = arith.index_cast %and3A_112 : i32 to index
        %get3A_156 = arith.index_cast %and3A_116 : i32 to index
        %get3A_157 = arith.constant 112 : index
        %get3A_158 = tpu.vector_load %arg13[%get3A_155, %get3A_156, %get3A_157] {strides = array<i32>} : memref<2x8x128xi32, #tpu.memory_space<vmem>>, vector<16xi32>,
        tpu.vector_store_idx %arg15[%get3A_158], %broadcast_in_dim3A_27 {add = true} : memref<10240xf32, #tpu.memory_space<vmem>>[vector<16xi32>], vector<16xf32>,
        %dma_wait3A = arith.constant 0 : i32
        %dma_wait3A_159 = arith.constant 0 : i32
        %dma_wait3A_160 = arith.constant 0 : i32
        %dma_wait3A_161 = tpu.memref_slice %arg14[%dma_wait3A, %dma_wait3A_159, %dma_wait3A_160] : memref<2x128x128xf32, #tpu.memory_space<vmem>> -> memref<1x128x128xf32, #tpu.memory_space<vmem>>
        %dma_wait3A_162 = tpu.memref_squeeze %dma_wait3A_161 : memref<1x128x128xf32, #tpu.memory_space<vmem>> -> memref<128x128xf32, #tpu.memory_space<vmem>>
        %dma_wait3A_163 = arith.constant 0 : i32
        %dma_wait3A_164 = arith.constant 0 : i32
        %dma_wait3A_165 = tpu.memref_slice %arg3[%dma_wait3A_163, %dma_wait3A_164] : memref<10000x128xf32, #tpu.memory_space<hbm>> -> memref<128x128xf32, #tpu.memory_space<hbm>>
        %dma_wait3A_166 = arith.constant 0 : i32
        %dma_wait3A_167 = arith.constant 0 : i32
        %dma_wait3A_168 = tpu.memref_slice %arg14[%dma_wait3A, %dma_wait3A_166, %dma_wait3A_167] : memref<2x128x128xf32, #tpu.memory_space<vmem>> -> memref<1x128x128xf32, #tpu.memory_space<vmem>>
        %dma_wait3A_169 = tpu.memref_squeeze %dma_wait3A_168 : memref<1x128x128xf32, #tpu.memory_space<vmem>> -> memref<128x128xf32, #tpu.memory_space<vmem>>
        %dma_wait3A_170 = arith.constant 0 : i32
        %dma_wait3A_171 = arith.constant 0 : i32
        %dma_wait3A_172 = tpu.memref_slice %arg3[%dma_wait3A_170, %dma_wait3A_171] : memref<10000x128xf32, #tpu.memory_space<hbm>> -> memref<128x128xf32, #tpu.memory_space<hbm>>
        tpu.wait_dma2 semaphore(%arg20 : memref<!tpu.dma_semaphore, #tpu.memory_space<semaphore_mem>>) src(%dma_wait3A_172 : memref<128x128xf32, #tpu.memory_space<hbm>>) dst(%dma_wait3A_169 : memref<128x128xf32, #tpu.memory_space<vmem>>)
        %dma_start3A_173 = arith.constant 0 : i32
        %dma_start3A_174 = arith.constant 0 : i32
        %dma_start3A_175 = tpu.memref_slice %arg14[%and3A_114, %dma_start3A_173, %dma_start3A_174] : memref<2x128x128xf32, #tpu.memory_space<vmem>> -> memref<1x128x128xf32, #tpu.memory_space<vmem>>
        %dma_start3A_176 = tpu.memref_squeeze %dma_start3A_175 : memref<1x128x128xf32, #tpu.memory_space<vmem>> -> memref<128x128xf32, #tpu.memory_space<vmem>>
        %dma_start3A_177 = arith.constant 0 : i32
        %dma_start3A_178 = tpu.memref_slice %arg13[%and3A_112, %and3A_116, %dma_start3A_177] : memref<2x8x128xi32, #tpu.memory_space<vmem>> -> memref<1x1x128xi32, #tpu.memory_space<vmem>>
        %dma_start3A_179 = tpu.memref_squeeze %dma_start3A_178 : memref<1x1x128xi32, #tpu.memory_space<vmem>> -> memref<128xi32, #tpu.memory_space<vmem>>
        %dma_start3A_180 = arith.constant 0 : i32
        %dma_start3A_181 = arith.constant 0 : i32
        %dma_start3A_182 = tpu.memref_slice %arg18[%dma_start3A_180, %dma_start3A_181] : memref<10240x128xf32, #tpu.memory_space<vmem_shared>> -> memref<10240x128xf32, #tpu.memory_space<vmem_shared>>
        tpu.enqueue_indirect_dma source(%dma_start3A_176 : memref<128x128xf32, #tpu.memory_space<vmem>>) target(%dma_start3A_182 : memref<10240x128xf32, #tpu.memory_space<vmem_shared>>) offsets(%dma_start3A_179 : memref<128xi32, #tpu.memory_space<vmem>>) semaphore(%arg21 : memref<!tpu.dma_semaphore, #tpu.memory_space<semaphore_mem>>) {add = true}
        %add3A_183 = arith.constant 1 : i32
        %add3A_184 = arith.addi %scan3A_110, %add3A_183 : i32
        %lt3A_185 = arith.constant 160 : i32
        %lt3A_186 = arith.cmpi slt, %add3A_184, %lt3A_185 : i32
        %convert_element_type3A_187 = arith.extui %lt3A_186 : i1 to i32
        %cond3A_188 = arith.constant 0 : i32
        %cond3A_189 = arith.cmpi ne, %convert_element_type3A_187, %cond3A_188 : i32
        scf.if %cond3A_189 {
          %shift_right_logical3A_205 = arith.constant 3 : i32
          %shift_right_logical3A_206 = arith.shrui %add3A_184, %shift_right_logical3A_205 : i32
          %and3A_207 = arith.constant 1 : i32
          %and3A_208 = arith.andi %shift_right_logical3A_206, %and3A_207 : i32
          %and3A_209 = arith.constant 7 : i32
          %and3A_210 = arith.andi %add3A_184, %and3A_209 : i32
          %eq3A_211 = arith.constant 0 : i32
          %eq3A_212 = arith.cmpi eq, %and3A_210, %eq3A_211 : i32
          %convert_element_type3A_213 = arith.extui %eq3A_212 : i1 to i32
          %cond3A_214 = arith.constant 0 : i32
          %cond3A_215 = arith.cmpi ne, %convert_element_type3A_213, %cond3A_214 : i32
          scf.if %cond3A_215 {
            %dma_wait3A_228 = arith.constant 0 : i32
            %dma_wait3A_229 = arith.constant 0 : i32
            %dma_wait3A_230 = arith.constant 0 : i32
            %dma_wait3A_231 = tpu.memref_slice %arg12[%dma_wait3A_228, %dma_wait3A_229, %dma_wait3A_230] : memref<2x8x128xi32, #tpu.memory_space<vmem>> -> memref<1x8x128xi32, #tpu.memory_space<vmem>>
            %dma_wait3A_232 = tpu.memref_squeeze %dma_wait3A_231 : memref<1x8x128xi32, #tpu.memory_space<vmem>> -> memref<8x128xi32, #tpu.memory_space<vmem>>
            %dma_wait3A_233 = arith.constant 0 : i32
            %dma_wait3A_234 = arith.constant 0 : i32
            %dma_wait3A_235 = tpu.memref_slice %arg6[%dma_wait3A_233, %dma_wait3A_234] : memref<2560x128xi32, #tpu.memory_space<hbm>> -> memref<8x128xi32, #tpu.memory_space<hbm>>
            %dma_wait3A_236 = arith.constant 0 : i32
            %dma_wait3A_237 = arith.constant 0 : i32
            %dma_wait3A_238 = tpu.memref_slice %arg12[%dma_wait3A_228, %dma_wait3A_236, %dma_wait3A_237] : memref<2x8x128xi32, #tpu.memory_space<vmem>> -> memref<1x8x128xi32, #tpu.memory_space<vmem>>
            %dma_wait3A_239 = tpu.memref_squeeze %dma_wait3A_238 : memref<1x8x128xi32, #tpu.memory_space<vmem>> -> memref<8x128xi32, #tpu.memory_space<vmem>>
            %dma_wait3A_240 = arith.constant 0 : i32
            %dma_wait3A_241 = arith.constant 0 : i32
            %dma_wait3A_242 = tpu.memref_slice %arg6[%dma_wait3A_240, %dma_wait3A_241] : memref<2560x128xi32, #tpu.memory_space<hbm>> -> memref<8x128xi32, #tpu.memory_space<hbm>>
            tpu.wait_dma2 semaphore(%arg22 : memref<!tpu.dma_semaphore, #tpu.memory_space<semaphore_mem>>) src(%dma_wait3A_242 : memref<8x128xi32, #tpu.memory_space<hbm>>) dst(%dma_wait3A_239 : memref<8x128xi32, #tpu.memory_space<vmem>>)
            %dma_wait3A_243 = arith.constant 0 : i32
            %dma_wait3A_244 = arith.constant 0 : i32
            %dma_wait3A_245 = arith.constant 0 : i32
            %dma_wait3A_246 = tpu.memref_slice %arg13[%dma_wait3A_243, %dma_wait3A_244, %dma_wait3A_245] : memref<2x8x128xi32, #tpu.memory_space<vmem>> -> memref<1x8x128xi32, #tpu.memory_space<vmem>>
            %dma_wait3A_247 = tpu.memref_squeeze %dma_wait3A_246 : memref<1x8x128xi32, #tpu.memory_space<vmem>> -> memref<8x128xi32, #tpu.memory_space<vmem>>
            %dma_wait3A_248 = arith.constant 0 : i32
            %dma_wait3A_249 = arith.constant 0 : i32
            %dma_wait3A_250 = tpu.memref_slice %arg7[%dma_wait3A_248, %dma_wait3A_249] : memref<2560x128xi32, #tpu.memory_space<hbm>> -> memref<8x128xi32, #tpu.memory_space<hbm>>
            %dma_wait3A_251 = arith.constant 0 : i32
            %dma_wait3A_252 = arith.constant 0 : i32
            %dma_wait3A_253 = tpu.memref_slice %arg13[%dma_wait3A_243, %dma_wait3A_251, %dma_wait3A_252] : memref<2x8x128xi32, #tpu.memory_space<vmem>> -> memref<1x8x128xi32, #tpu.memory_space<vmem>>
            %dma_wait3A_254 = tpu.memref_squeeze %dma_wait3A_253 : memref<1x8x128xi32, #tpu.memory_space<vmem>> -> memref<8x128xi32, #tpu.memory_space<vmem>>
            %dma_wait3A_255 = arith.constant 0 : i32
            %dma_wait3A_256 = arith.constant 0 : i32
            %dma_wait3A_257 = tpu.memref_slice %arg7[%dma_wait3A_255, %dma_wait3A_256] : memref<2560x128xi32, #tpu.memory_space<hbm>> -> memref<8x128xi32, #tpu.memory_space<hbm>>
            tpu.wait_dma2 semaphore(%arg22 : memref<!tpu.dma_semaphore, #tpu.memory_space<semaphore_mem>>) src(%dma_wait3A_257 : memref<8x128xi32, #tpu.memory_space<hbm>>) dst(%dma_wait3A_254 : memref<8x128xi32, #tpu.memory_space<vmem>>)
          } else {
          }
          %and3A_216 = arith.constant 1 : i32
          %and3A_217 = arith.andi %add3A_184, %and3A_216 : i32
          %dma_start3A_218 = arith.constant 0 : i32
          %dma_start3A_219 = arith.constant 0 : i32
          %dma_start3A_220 = tpu.memref_slice %arg14[%and3A_217, %dma_start3A_218, %dma_start3A_219] : memref<2x128x128xf32, #tpu.memory_space<vmem>> -> memref<1x128x128xf32, #tpu.memory_space<vmem>>
          %dma_start3A_221 = tpu.memref_squeeze %dma_start3A_220 : memref<1x128x128xf32, #tpu.memory_space<vmem>> -> memref<128x128xf32, #tpu.memory_space<vmem>>
          %dma_start3A_222 = arith.constant 0 : i32
          %dma_start3A_223 = tpu.memref_slice %arg12[%and3A_208, %and3A_210, %dma_start3A_222] : memref<2x8x128xi32, #tpu.memory_space<vmem>> -> memref<1x1x128xi32, #tpu.memory_space<vmem>>
          %dma_start3A_224 = tpu.memref_squeeze %dma_start3A_223 : memref<1x1x128xi32, #tpu.memory_space<vmem>> -> memref<128xi32, #tpu.memory_space<vmem>>
          %dma_start3A_225 = arith.constant 0 : i32
          %dma_start3A_226 = arith.constant 0 : i32
          %dma_start3A_227 = tpu.memref_slice %arg3[%dma_start3A_225, %dma_start3A_226] : memref<10000x128xf32, #tpu.memory_space<hbm>> -> memref<10000x128xf32, #tpu.memory_space<hbm>>
          tpu.enqueue_indirect_dma source(%dma_start3A_227 : memref<10000x128xf32, #tpu.memory_space<hbm>>) target(%dma_start3A_221 : memref<128x128xf32, #tpu.memory_space<vmem>>) offsets(%dma_start3A_224 : memref<128xi32, #tpu.memory_space<vmem>>) semaphore(%arg20 : memref<!tpu.dma_semaphore, #tpu.memory_space<semaphore_mem>>)
        } else {
        }
        %dma_wait3A_190 = arith.constant 0 : i32
        %dma_wait3A_191 = arith.constant 0 : i32
        %dma_wait3A_192 = arith.constant 0 : i32
        %dma_wait3A_193 = tpu.memref_slice %arg14[%dma_wait3A_190, %dma_wait3A_191, %dma_wait3A_192] : memref<2x128x128xf32, #tpu.memory_space<vmem>> -> memref<1x128x128xf32, #tpu.memory_space<vmem>>
        %dma_wait3A_194 = tpu.memref_squeeze %dma_wait3A_193 : memref<1x128x128xf32, #tpu.memory_space<vmem>> -> memref<128x128xf32, #tpu.memory_space<vmem>>
        %dma_wait3A_195 = arith.constant 0 : i32
        %dma_wait3A_196 = arith.constant 0 : i32
        %dma_wait3A_197 = tpu.memref_slice %arg18[%dma_wait3A_195, %dma_wait3A_196] : memref<10240x128xf32, #tpu.memory_space<vmem_shared>> -> memref<128x128xf32, #tpu.memory_space<vmem_shared>>
        %dma_wait3A_198 = arith.constant 0 : i32
        %dma_wait3A_199 = arith.constant 0 : i32
        %dma_wait3A_200 = tpu.memref_slice %arg18[%dma_wait3A_198, %dma_wait3A_199] : memref<10240x128xf32, #tpu.memory_space<vmem_shared>> -> memref<128x128xf32, #tpu.memory_space<vmem_shared>>
        %dma_wait3A_201 = arith.constant 0 : i32
        %dma_wait3A_202 = arith.constant 0 : i32
        %dma_wait3A_203 = tpu.memref_slice %arg14[%dma_wait3A_190, %dma_wait3A_201, %dma_wait3A_202] : memref<2x128x128xf32, #tpu.memory_space<vmem>> -> memref<1x128x128xf32, #tpu.memory_space<vmem>>
        %dma_wait3A_204 = tpu.memref_squeeze %dma_wait3A_203 : memref<1x128x128xf32, #tpu.memory_space<vmem>> -> memref<128x128xf32, #tpu.memory_space<vmem>>
        tpu.wait_dma2 semaphore(%arg21 : memref<!tpu.dma_semaphore, #tpu.memory_space<semaphore_mem>>) src(%dma_wait3A_204 : memref<128x128xf32, #tpu.memory_space<vmem>>) dst(%dma_wait3A_200 : memref<128x128xf32, #tpu.memory_space<vmem_shared>>)
      }
      %scan3A_109 = arith.constant 160 : i32
    } else {
    }
    "tpu.region"() ({
      %run_scoped3A_60 = tpu.sem_alloc : memref<!tpu.dma_semaphore, #tpu.memory_space<semaphore_mem>>
      %dma_start3A = arith.constant 0 : i32
      %dma_start3A_61 = tpu.memref_slice %arg19[%arg0, %arg1, %dma_start3A] : memref<2x16x10240xf32, #tpu.memory_space<hbm>> -> memref<1x1x10240xf32, #tpu.memory_space<hbm>>
      %dma_start3A_62 = tpu.memref_squeeze %dma_start3A_61 : memref<1x1x10240xf32, #tpu.memory_space<hbm>> -> memref<10240xf32, #tpu.memory_space<hbm>>
      %dma_start3A_63 = arith.constant 0 : i32
      %dma_start3A_64 = tpu.memref_slice %arg19[%arg0, %arg1, %dma_start3A_63] : memref<2x16x10240xf32, #tpu.memory_space<hbm>> -> memref<1x1x10240xf32, #tpu.memory_space<hbm>>
      %dma_start3A_65 = tpu.memref_squeeze %dma_start3A_64 : memref<1x1x10240xf32, #tpu.memory_space<hbm>> -> memref<10240xf32, #tpu.memory_space<hbm>>
      tpu.enqueue_dma source(%arg15 : memref<10240xf32, #tpu.memory_space<vmem>>) target(%dma_start3A_65 : memref<10240xf32, #tpu.memory_space<hbm>>) target_semaphore(%run_scoped3A_60 : memref<!tpu.dma_semaphore, #tpu.memory_space<semaphore_mem>>)
      %dma_wait3A = arith.constant 0 : i32
      %dma_wait3A_66 = tpu.memref_slice %arg19[%arg0, %arg1, %dma_wait3A] : memref<2x16x10240xf32, #tpu.memory_space<hbm>> -> memref<1x1x10240xf32, #tpu.memory_space<hbm>>
      %dma_wait3A_67 = tpu.memref_squeeze %dma_wait3A_66 : memref<1x1x10240xf32, #tpu.memory_space<hbm>> -> memref<10240xf32, #tpu.memory_space<hbm>>
      %dma_wait3A_68 = arith.constant 0 : i32
      %dma_wait3A_69 = tpu.memref_slice %arg19[%arg0, %arg1, %dma_wait3A_68] : memref<2x16x10240xf32, #tpu.memory_space<hbm>> -> memref<1x1x10240xf32, #tpu.memory_space<hbm>>
      %dma_wait3A_70 = tpu.memref_squeeze %dma_wait3A_69 : memref<1x1x10240xf32, #tpu.memory_space<hbm>> -> memref<10240xf32, #tpu.memory_space<hbm>>
      tpu.wait_dma2 semaphore(%run_scoped3A_60 : memref<!tpu.dma_semaphore, #tpu.memory_space<semaphore_mem>>) src(%arg15 : memref<10240xf32, #tpu.memory_space<vmem>>) dst(%dma_wait3A_70 : memref<10240xf32, #tpu.memory_space<hbm>>)
      tpu.yield
    }) : () -> ()
    %barrier3A_37 = arith.constant 0 : index
    tpu.barrier barrier_id(%barrier3A_37)
    %scan3A_38 = arith.constant 0 : i32
    %scan3A_39 = arith.constant 0 : i32
    %scan3A_40 = arith.constant 40 : i32
    %scan3A_41 = arith.addi %scan3A_39, %scan3A_40 : i32
    %scan3A_42 = arith.constant 1 : i32
    scf.for %scan3A_60 = %scan3A_39 to %scan3A_41 step %scan3A_42  : i32 {
      %mul3A_61 = arith.constant 16 : i32
      %mul3A_62 = arith.muli %scan3A_60, %mul3A_61 : i32
      %swap3A = arith.index_cast %mul3A_62 : i32 to index
      %swap3A_63 = tpu.vector_load %arg17[%swap3A] {strides = array<i32>} : memref<640xf32, #tpu.memory_space<vmem>>, vector<16xf32>,
      tpu.vector_store %arg17[%swap3A], %broadcast_in_dim3A_0 {strides = array<i32>} : memref<640xf32, #tpu.memory_space<vmem>>, vector<16xf32>,
    }
    %scan3A_43 = arith.constant 40 : i32
    %scan3A_44 = arith.constant 0 : i32
    %scan3A_45 = arith.constant 0 : i32
    %scan3A_46 = arith.constant 16 : i32
    %scan3A_47 = arith.addi %scan3A_45, %scan3A_46 : i32
    %scan3A_48 = arith.constant 1 : i32
    scf.for %scan3A_60 = %scan3A_45 to %scan3A_47 step %scan3A_48  : i32 {
      "tpu.region"() ({
        %run_scoped3A_67 = tpu.sem_alloc : memref<!tpu.dma_semaphore, #tpu.memory_space<semaphore_mem>>
        %dma_start3A = tpu.memref_slice %arg19[%arg0, %scan3A_60, %mul3A_12] : memref<2x16x10240xf32, #tpu.memory_space<hbm>> -> memref<1x1x640xf32, #tpu.memory_space<hbm>>
        %dma_start3A_68 = tpu.memref_squeeze %dma_start3A : memref<1x1x640xf32, #tpu.memory_space<hbm>> -> memref<640xf32, #tpu.memory_space<hbm>>
        %dma_start3A_69 = tpu.memref_slice %arg19[%arg0, %scan3A_60, %mul3A_12] : memref<2x16x10240xf32, #tpu.memory_space<hbm>> -> memref<1x1x640xf32, #tpu.memory_space<hbm>>
        %dma_start3A_70 = tpu.memref_squeeze %dma_start3A_69 : memref<1x1x640xf32, #tpu.memory_space<hbm>> -> memref<640xf32, #tpu.memory_space<hbm>>
        tpu.enqueue_dma source(%dma_start3A_70 : memref<640xf32, #tpu.memory_space<hbm>>) target(%arg16 : memref<640xf32, #tpu.memory_space<vmem>>) target_semaphore(%run_scoped3A_67 : memref<!tpu.dma_semaphore, #tpu.memory_space<semaphore_mem>>)
        %dma_wait3A = tpu.memref_slice %arg19[%arg0, %scan3A_60, %mul3A_12] : memref<2x16x10240xf32, #tpu.memory_space<hbm>> -> memref<1x1x640xf32, #tpu.memory_space<hbm>>
        %dma_wait3A_71 = tpu.memref_squeeze %dma_wait3A : memref<1x1x640xf32, #tpu.memory_space<hbm>> -> memref<640xf32, #tpu.memory_space<hbm>>
        %dma_wait3A_72 = tpu.memref_slice %arg19[%arg0, %scan3A_60, %mul3A_12] : memref<2x16x10240xf32, #tpu.memory_space<hbm>> -> memref<1x1x640xf32, #tpu.memory_space<hbm>>
        %dma_wait3A_73 = tpu.memref_squeeze %dma_wait3A_72 : memref<1x1x640xf32, #tpu.memory_space<hbm>> -> memref<640xf32, #tpu.memory_space<hbm>>
        tpu.wait_dma2 semaphore(%run_scoped3A_67 : memref<!tpu.dma_semaphore, #tpu.memory_space<semaphore_mem>>) src(%dma_wait3A_73 : memref<640xf32, #tpu.memory_space<hbm>>) dst(%arg16 : memref<640xf32, #tpu.memory_space<vmem>>)
        tpu.yield
      }) : () -> ()
      %scan3A_61 = arith.constant 0 : i32
      %scan3A_62 = arith.constant 0 : i32
      %scan3A_63 = arith.constant 40 : i32
      %scan3A_64 = arith.addi %scan3A_62, %scan3A_63 : i32
      %scan3A_65 = arith.constant 1 : i32
      scf.for %scan3A_67 = %scan3A_62 to %scan3A_64 step %scan3A_65  : i32 {
        %mul3A_68 = arith.constant 16 : i32
        %mul3A_69 = arith.muli %scan3A_67, %mul3A_68 : i32
        %get3A = arith.index_cast %mul3A_69 : i32 to index
        %get3A_70 = tpu.vector_load %arg17[%get3A] {strides = array<i32>} : memref<640xf32, #tpu.memory_space<vmem>>, vector<16xf32>,
        %mul3A_71 = arith.constant 16 : i32
        %mul3A_72 = arith.muli %scan3A_67, %mul3A_71 : i32
        %get3A_73 = arith.index_cast %mul3A_72 : i32 to index
        %get3A_74 = tpu.vector_load %arg16[%get3A_73] {strides = array<i32>} : memref<640xf32, #tpu.memory_space<vmem>>, vector<16xf32>,
        %add3A_75 = arith.addf %get3A_70, %get3A_74 : vector<16xf32>
        %mul3A_76 = arith.constant 16 : i32
        %mul3A_77 = arith.muli %scan3A_67, %mul3A_76 : i32
        %swap3A = arith.index_cast %mul3A_77 : i32 to index
        %swap3A_78 = tpu.vector_load %arg17[%swap3A] {strides = array<i32>} : memref<640xf32, #tpu.memory_space<vmem>>, vector<16xf32>,
        tpu.vector_store %arg17[%swap3A], %add3A_75 {strides = array<i32>} : memref<640xf32, #tpu.memory_space<vmem>>, vector<16xf32>,
      }
      %scan3A_66 = arith.constant 40 : i32
    }
    %scan3A_49 = arith.constant 16 : i32
    %eq3A_50 = arith.constant 0 : i32
    %eq3A_51 = arith.cmpi eq, %arg0, %eq3A_50 : i32
    %convert_element_type3A_52 = arith.extui %eq3A_51 : i1 to i32
    %cond3A_53 = arith.constant 0 : i32
    %cond3A_54 = arith.cmpi ne, %convert_element_type3A_52, %cond3A_53 : i32
    scf.if %cond3A_54 {
      "tpu.region"() ({
        %run_scoped3A_60 = tpu.sem_alloc : memref<!tpu.dma_semaphore, #tpu.memory_space<semaphore_mem>>
        %dma_start3A = arith.constant 0 : i32
        %dma_start3A_61 = tpu.memref_slice %arg8[%mul3A_12, %dma_start3A] : memref<10240x128xf32, #tpu.memory_space<hbm>> -> memref<640x128xf32, #tpu.memory_space<hbm>>
        %dma_start3A_62 = arith.constant 0 : i32
        %dma_start3A_63 = tpu.memref_slice %arg18[%mul3A_12, %dma_start3A_62] : memref<10240x128xf32, #tpu.memory_space<vmem_shared>> -> memref<640x128xf32, #tpu.memory_space<vmem_shared>>
        tpu.enqueue_dma source(%dma_start3A_63 : memref<640x128xf32, #tpu.memory_space<vmem_shared>>) target(%dma_start3A_61 : memref<640x128xf32, #tpu.memory_space<hbm>>) target_semaphore(%run_scoped3A_60 : memref<!tpu.dma_semaphore, #tpu.memory_space<semaphore_mem>>)
        %dma_wait3A = arith.constant 0 : i32
        %dma_wait3A_64 = tpu.memref_slice %arg8[%mul3A_12, %dma_wait3A] : memref<10240x128xf32, #tpu.memory_space<hbm>> -> memref<640x128xf32, #tpu.memory_space<hbm>>
        %dma_wait3A_65 = arith.constant 0 : i32
        %dma_wait3A_66 = tpu.memref_slice %arg18[%mul3A_12, %dma_wait3A_65] : memref<10240x128xf32, #tpu.memory_space<vmem_shared>> -> memref<640x128xf32, #tpu.memory_space<vmem_shared>>
        tpu.wait_dma2 semaphore(%run_scoped3A_60 : memref<!tpu.dma_semaphore, #tpu.memory_space<semaphore_mem>>) src(%dma_wait3A_66 : memref<640x128xf32, #tpu.memory_space<vmem_shared>>) dst(%dma_wait3A_64 : memref<640x128xf32, #tpu.memory_space<hbm>>)
        tpu.yield
      }) : () -> ()
      "tpu.region"() ({
        %run_scoped3A_60 = tpu.sem_alloc : memref<!tpu.dma_semaphore, #tpu.memory_space<semaphore_mem>>
        %dma_start3A = tpu.memref_slice %arg9[%mul3A_12] : memref<10240xf32, #tpu.memory_space<hbm>> -> memref<640xf32, #tpu.memory_space<hbm>>
        %dma_start3A_61 = tpu.memref_slice %arg9[%mul3A_12] : memref<10240xf32, #tpu.memory_space<hbm>> -> memref<640xf32, #tpu.memory_space<hbm>>
        tpu.enqueue_dma source(%arg17 : memref<640xf32, #tpu.memory_space<vmem>>) target(%dma_start3A_61 : memref<640xf32, #tpu.memory_space<hbm>>) target_semaphore(%run_scoped3A_60 : memref<!tpu.dma_semaphore, #tpu.memory_space<semaphore_mem>>)
        %dma_wait3A = tpu.memref_slice %arg9[%mul3A_12] : memref<10240xf32, #tpu.memory_space<hbm>> -> memref<640xf32, #tpu.memory_space<hbm>>
        %dma_wait3A_62 = tpu.memref_slice %arg9[%mul3A_12] : memref<10240xf32, #tpu.memory_space<hbm>> -> memref<640xf32, #tpu.memory_space<hbm>>
        tpu.wait_dma2 semaphore(%run_scoped3A_60 : memref<!tpu.dma_semaphore, #tpu.memory_space<semaphore_mem>>) src(%arg17 : memref<640xf32, #tpu.memory_space<vmem>>) dst(%dma_wait3A_62 : memref<640xf32, #tpu.memory_space<hbm>>)
        tpu.yield
      }) : () -> ()
    } else {
    }
    %eq3A_55 = arith.constant 1 : i32
    %eq3A_56 = arith.cmpi eq, %arg0, %eq3A_55 : i32
    %convert_element_type3A_57 = arith.extui %eq3A_56 : i1 to i32
    %cond3A_58 = arith.constant 0 : i32
    %cond3A_59 = arith.cmpi ne, %convert_element_type3A_57, %cond3A_58 : i32
    scf.if %cond3A_59 {
      "tpu.region"() ({
        %run_scoped3A_60 = tpu.sem_alloc : memref<!tpu.dma_semaphore, #tpu.memory_space<semaphore_mem>>
        %dma_start3A = arith.constant 0 : i32
        %dma_start3A_61 = tpu.memref_slice %arg10[%mul3A_12, %dma_start3A] : memref<10240x128xf32, #tpu.memory_space<hbm>> -> memref<640x128xf32, #tpu.memory_space<hbm>>
        %dma_start3A_62 = arith.constant 0 : i32
        %dma_start3A_63 = tpu.memref_slice %arg18[%mul3A_12, %dma_start3A_62] : memref<10240x128xf32, #tpu.memory_space<vmem_shared>> -> memref<640x128xf32, #tpu.memory_space<vmem_shared>>
        tpu.enqueue_dma source(%dma_start3A_63 : memref<640x128xf32, #tpu.memory_space<vmem_shared>>) target(%dma_start3A_61 : memref<640x128xf32, #tpu.memory_space<hbm>>) target_semaphore(%run_scoped3A_60 : memref<!tpu.dma_semaphore, #tpu.memory_space<semaphore_mem>>)
        %dma_wait3A = arith.constant 0 : i32
        %dma_wait3A_64 = tpu.memref_slice %arg10[%mul3A_12, %dma_wait3A] : memref<10240x128xf32, #tpu.memory_space<hbm>> -> memref<640x128xf32, #tpu.memory_space<hbm>>
        %dma_wait3A_65 = arith.constant 0 : i32
        %dma_wait3A_66 = tpu.memref_slice %arg18[%mul3A_12, %dma_wait3A_65] : memref<10240x128xf32, #tpu.memory_space<vmem_shared>> -> memref<640x128xf32, #tpu.memory_space<vmem_shared>>
        tpu.wait_dma2 semaphore(%run_scoped3A_60 : memref<!tpu.dma_semaphore, #tpu.memory_space<semaphore_mem>>) src(%dma_wait3A_66 : memref<640x128xf32, #tpu.memory_space<vmem_shared>>) dst(%dma_wait3A_64 : memref<640x128xf32, #tpu.memory_space<hbm>>)
        tpu.yield
      }) : () -> ()
      "tpu.region"() ({
        %run_scoped3A_60 = tpu.sem_alloc : memref<!tpu.dma_semaphore, #tpu.memory_space<semaphore_mem>>
        %dma_start3A = tpu.memref_slice %arg11[%mul3A_12] : memref<10240xf32, #tpu.memory_space<hbm>> -> memref<640xf32, #tpu.memory_space<hbm>>
        %dma_start3A_61 = tpu.memref_slice %arg11[%mul3A_12] : memref<10240xf32, #tpu.memory_space<hbm>> -> memref<640xf32, #tpu.memory_space<hbm>>
        tpu.enqueue_dma source(%arg17 : memref<640xf32, #tpu.memory_space<vmem>>) target(%dma_start3A_61 : memref<640xf32, #tpu.memory_space<hbm>>) target_semaphore(%run_scoped3A_60 : memref<!tpu.dma_semaphore, #tpu.memory_space<semaphore_mem>>)
        %dma_wait3A = tpu.memref_slice %arg11[%mul3A_12] : memref<10240xf32, #tpu.memory_space<hbm>> -> memref<640xf32, #tpu.memory_space<hbm>>
        %dma_wait3A_62 = tpu.memref_slice %arg11[%mul3A_12] : memref<10240xf32, #tpu.memory_space<hbm>> -> memref<640xf32, #tpu.memory_space<hbm>>
        tpu.wait_dma2 semaphore(%run_scoped3A_60 : memref<!tpu.dma_semaphore, #tpu.memory_space<semaphore_mem>>) src(%arg17 : memref<640xf32, #tpu.memory_space<vmem>>) dst(%dma_wait3A_62 : memref<640xf32, #tpu.memory_space<hbm>>)
        tpu.yield
      }) : () -> ()
    } else {
    }
    return
  }
}

module attributes {stable_mosaic.version = 14 : i64} {
  func.func @body(%arg0: i32, %arg1: memref<2000x128xf32, #tpu.memory_space<vmem>>, %arg2: memref<128x128xf32, #tpu.memory_space<vmem>>, %arg3: memref<2000x128xf32, #tpu.memory_space<vmem>>) attributes {dimension_semantics = [#tpu.dimension_semantics<arbitrary>], iteration_bounds = array<i64: 5>, scalar_prefetch = 0 : i64, scratch_operands = 0 : i64, tpu.core_type = #tpu.core_type<tc>, window_params = [{transform_indices = @transform_0, window_bounds = array<i64: 2000, 128>}, {pipeline_mode = #tpu.pipeline_mode<synchronous>, transform_indices = @transform_1, window_bounds = array<i64: 128, 128>}, {transform_indices = @transform_2, window_bounds = array<i64: 2000, 128>}]} {
    %get3A = arith.constant 0 : index
    %get3A_0 = arith.constant 0 : index
    %get3A_1 = vector.load %arg1[%get3A, %get3A_0] : memref<2000x128xf32, #tpu.memory_space<vmem>>, vector<2000x128xf32>
    %get3A_2 = arith.constant 0 : index
    %get3A_3 = arith.constant 0 : index
    %get3A_4 = vector.load %arg2[%get3A_2, %get3A_3] : memref<128x128xf32, #tpu.memory_space<vmem>>, vector<128x128xf32>
    %dot_general3A = arith.constant dense<0.000000e+00> : vector<2000x128xf32>
    %dot_general3A_5 = tpu.matmul %get3A_1, %get3A_4, %dot_general3A {dimension_numbers = #tpu.dot_dimension_numbers<[1], [0], [0], [1], [0, 0, 1, 1], [], []>, transpose_lhs_hint = false} : vector<2000x128xf32>, vector<128x128xf32>, vector<2000x128xf32> -> vector<2000x128xf32>
    %swap3A = arith.constant 0 : index
    %swap3A_6 = arith.constant 0 : index
    %swap3A_7 = vector.load %arg3[%swap3A, %swap3A_6] : memref<2000x128xf32, #tpu.memory_space<vmem>>, vector<2000x128xf32>
    tpu.vector_store %arg3[%swap3A, %swap3A_6], %dot_general3A_5 {strides = array<i32>} : memref<2000x128xf32, #tpu.memory_space<vmem>>, vector<2000x128xf32>,
    return
  }
  func.func @transform_0(%arg0: i32) -> (i32, i32) {
    %c0_i32 = arith.constant 0 : i32
    %c0_i32_0 = arith.constant 0 : i32
    return %arg0, %c0_i32 : i32, i32
  }
  func.func @transform_1(%arg0: i32) -> (i32, i32) {
    %c0_i32 = arith.constant 0 : i32
    %c0_i32_0 = arith.constant 0 : i32
    %c0_i32_1 = arith.constant 0 : i32
    return %c0_i32, %c0_i32_0 : i32, i32
  }
  func.func @transform_2(%arg0: i32) -> (i32, i32) {
    %c0_i32 = arith.constant 0 : i32
    %c0_i32_0 = arith.constant 0 : i32
    return %arg0, %c0_i32 : i32, i32
  }
}

module attributes {stable_mosaic.version = 14 : i64} {
  func.func @body(%arg0: i32, %arg1: memref<2000x128xf32, #tpu.memory_space<vmem>>, %arg2: memref<128x128xf32, #tpu.memory_space<vmem>>, %arg3: memref<2000x128xf32, #tpu.memory_space<vmem>>, %arg4: memref<2000x1xf32, #tpu.memory_space<vmem>>, %arg5: memref<2000x128xf32, #tpu.memory_space<vmem>>) attributes {dimension_semantics = [#tpu.dimension_semantics<arbitrary>], iteration_bounds = array<i64: 5>, scalar_prefetch = 0 : i64, scratch_operands = 0 : i64, tpu.core_type = #tpu.core_type<tc>, window_params = [{transform_indices = @transform_0, window_bounds = array<i64: 2000, 128>}, {pipeline_mode = #tpu.pipeline_mode<synchronous>, transform_indices = @transform_1, window_bounds = array<i64: 128, 128>}, {transform_indices = @transform_2, window_bounds = array<i64: 2000, 128>}, {transform_indices = @transform_3, window_bounds = array<i64: 2000, 1>}, {transform_indices = @transform_4, window_bounds = array<i64: 2000, 128>}]} {
    %get3A = arith.constant 0 : index
    %get3A_0 = arith.constant 0 : index
    %get3A_1 = vector.load %arg1[%get3A, %get3A_0] : memref<2000x128xf32, #tpu.memory_space<vmem>>, vector<2000x128xf32>
    %get3A_2 = arith.constant 0 : index
    %get3A_3 = arith.constant 0 : index
    %get3A_4 = vector.load %arg2[%get3A_2, %get3A_3] : memref<128x128xf32, #tpu.memory_space<vmem>>, vector<128x128xf32>
    %dot_general3A = arith.constant dense<0.000000e+00> : vector<2000x128xf32>
    %dot_general3A_5 = tpu.matmul %get3A_1, %get3A_4, %dot_general3A {dimension_numbers = #tpu.dot_dimension_numbers<[1], [0], [0], [1], [0, 0, 1, 1], [], []>, transpose_lhs_hint = false} : vector<2000x128xf32>, vector<128x128xf32>, vector<2000x128xf32> -> vector<2000x128xf32>
    %get3A_6 = arith.constant 0 : index
    %get3A_7 = arith.constant 0 : index
    %get3A_8 = vector.load %arg4[%get3A_6, %get3A_7] : memref<2000x1xf32, #tpu.memory_space<vmem>>, vector<2000x1xf32>
    %max3A = arith.constant 1.000000e+00 : f32
    %max3A_9 = vector.broadcast %max3A : f32 to vector<2000x1xf32>
    %max3A_10 = arith.maximumf %get3A_8, %max3A_9 : vector<2000x1xf32>
    %div3A = arith.constant 1.000000e+00 : f32
    %div3A_11 = vector.broadcast %div3A : f32 to vector<2000x1xf32>
    %div3A_12 = arith.divf %div3A_11, %max3A_10 : vector<2000x1xf32>
    %get3A_13 = arith.constant 0 : index
    %get3A_14 = arith.constant 0 : index
    %get3A_15 = vector.load %arg3[%get3A_13, %get3A_14] : memref<2000x128xf32, #tpu.memory_space<vmem>>, vector<2000x128xf32>
    %mul3A = vector.broadcast %div3A_12 : vector<2000x1xf32> to vector<2000x128xf32>
    %mul3A_16 = arith.mulf %get3A_15, %mul3A : vector<2000x128xf32>
    %add3A = arith.addf %dot_general3A_5, %mul3A_16 : vector<2000x128xf32>
    %max3A_17 = arith.constant 0.000000e+00 : f32
    %max3A_18 = vector.broadcast %max3A_17 : f32 to vector<2000x128xf32>
    %max3A_19 = arith.maximumf %add3A, %max3A_18 : vector<2000x128xf32>
    %swap3A = arith.constant 0 : index
    %swap3A_20 = arith.constant 0 : index
    %swap3A_21 = vector.load %arg5[%swap3A, %swap3A_20] : memref<2000x128xf32, #tpu.memory_space<vmem>>, vector<2000x128xf32>
    tpu.vector_store %arg5[%swap3A, %swap3A_20], %max3A_19 {strides = array<i32>} : memref<2000x128xf32, #tpu.memory_space<vmem>>, vector<2000x128xf32>,
    return
  }
  func.func @transform_0(%arg0: i32) -> (i32, i32) {
    %c0_i32 = arith.constant 0 : i32
    %c0_i32_0 = arith.constant 0 : i32
    return %arg0, %c0_i32 : i32, i32
  }
  func.func @transform_1(%arg0: i32) -> (i32, i32) {
    %c0_i32 = arith.constant 0 : i32
    %c0_i32_0 = arith.constant 0 : i32
    %c0_i32_1 = arith.constant 0 : i32
    return %c0_i32, %c0_i32_0 : i32, i32
  }
  func.func @transform_2(%arg0: i32) -> (i32, i32) {
    %c0_i32 = arith.constant 0 : i32
    %c0_i32_0 = arith.constant 0 : i32
    return %arg0, %c0_i32 : i32, i32
  }
  func.func @transform_3(%arg0: i32) -> (i32, i32) {
    %c0_i32 = arith.constant 0 : i32
    %c0_i32_0 = arith.constant 0 : i32
    return %arg0, %c0_i32 : i32, i32
  }
  func.func @transform_4(%arg0: i32) -> (i32, i32) {
    %c0_i32 = arith.constant 0 : i32
    %c0_i32_0 = arith.constant 0 : i32
    return %arg0, %c0_i32 : i32, i32
  }
}

</mosaic_0001>

<sc_bundles>
// kernel: kernel.7.cloned.1.call-start
scs
__scs_entry_jumppad:
0x0: {  	(pc) =	sbr.rel $0x88, $3  }
0x1: {  	(tag) =	ssettag $0x0;
	lr =	simm.s32 $0x1  }
0x2: {  	[smem:$0x3F99] =	sst lr;
	_ =	strace $0xD0000000  }
0x3: {  	_ = 	snop  }
0x4: {  	_ = 	snop  }
0x5: {  	_ = 	snop  }
0x6: {  	_ = 	snop  }
0x7: {  	_ = 	snop  }
__scs_overlays_trampoline_lowered:
0x8: {  	[smem:$0x3FA8] =	sst s0  }
0x9: {  	[smem:$0x3FA9] =	sst s1  }
0xa: {  	[smem:$0x3FAA] =	sst s2  }
0xb: {  	[smem:$0x3FAB] =	sst s3  }
0xc: {  	[smem:$0x3FAC] =	sst s4  }
0xd: {  	[smem:$0x3FAD] =	sst s5  }
0xe: {  	[smem:$0x3FAE] =	sst s6  }
0xf: {  	[smem:$0x3FAF] =	sst s7  }
0x10: {  	[smem:$0x3FB0] =	sst s8  }
0x11: {  	[smem:$0x3FB1] =	sst s9;
	s0 =	simm.s32 @!p0 $0x0  }
0x12: {  	s1 =	sld [smem:$0x3F97];
	s0 =	simm.s32 @p0 $0x1  }
0x13: {  	[smem:$0x3FB2] =	sst s0;
	s0 =	simm.s32 @!p1 $0x0  }
0x14: {  	s2 =	sld [smem:$0x3F96];
	s0 =	simm.s32 @p1 $0x1  }
0x15: {  	[smem:$0x3FB3] =	sst s0;
	s0 =	simm.s32 @!p2 $0x0  }
0x16: {  	s3 =	sld [smem:$0x3FDB];
	s0 =	simm.s32 @p2 $0x1  }
0x17: {  	s4 =	simm.s32 $0x1BF5;
	[smem:$0x3FB5] =	sst s0  }
0x18: {  	s0 =	sld [smem:$0x3F98];
	_ =	swait.ge [sflag:s4], $0x0  }
0x19: {  	s7 =	sld [smem:$0x3F99]  }
0x1a: {  	s8 =	sadd.s32 $0xFFFFE003, lr  }
0x1b: {  	s9 =	sadd.s32 $0xFFFFFEF7, lr;
	s5 =	simm.s32 $0xFFFFFFFF;
	p2 =	slt.u32 s8, $0xFFFFF086  }
0x1c: {  	p1 =	slt.u32 s9, $0xF7A;
	s5 =	simm.s32 @!p2 $0x0  }
0x1d: {  	s5 =	simm.s32 @p1 $0x1;
	p0 =	seq.s32 s7, s2  }
0x1e: {  	s7 =	smul.u32 @!p0 $0xF7A, s2;
	p2 =	seq.s32 @!p0 s5, $0x0  }
0x1f: {  	s9 =	smul.u32 $0xF7A, s1;
	s8 =	simm.s32 @!p0 $0x1BF5;
	p2 =	por !p2, p0  }
0x20: {  	[sflag:s8] =	ssyncset.s32 @!p0 $0xFFFFF086;
	s6 =	sadd.s32 @!p0 s3, s7;
	s7 =	simm.s32 @!p0 $0x108  }
0x21: {  	s3 =	sadd.s32 s3, s9;
	s6 =	sadd.s32 @!p0 $0x88, s6;
	s7 =	simm.s32 @p2 $0x1082  }
0x22: {  	[simem:s7], [sflag:s8] =	dma.local @!p0 [hbm:s6], $0xF7A  }
0x23: {  	s9 =	sor.u32 $0xD0000000, s2;
	s6 =	simm.s32 $0x108;
	_ =	swait.ge @!p0 [sflag:s8], $0x0  }
0x24: {  	s3 =	sadd.s32 $0x88, s3;
	s6 =	simm.s32 @!p1 $0x1082;
	[sflag:s4] =	ssyncset.s32 $0xFFFFF086  }
0x25: {  	[simem:s6], [sflag:s4] =	dma.local [hbm:s3], $0xF7A  }
0x26: {  	[smem:$0x3F99] =	sst s1;
	(tag) =	ssettag s2;
	_ =	strace s9  }
0x27: {  	s1 =	sld [smem:$0x3FA9]  }
0x28: {  	s2 =	sld [smem:$0x3FAA]  }
0x29: {  	s4 =	sld [smem:$0x3FAC]  }
0x2a: {  	p0 =	seq.s32 s5, $0x0;
	s5 =	sld [smem:$0x3FAD]  }
0x2b: {  	s6 =	sld [smem:$0x3FAE]  }
0x2c: {  	s7 =	sld [smem:$0x3FAF]  }
0x2d: {  	s3 =	simm.s32 $0x108;
	s8 =	sld [smem:$0x3FB0]  }
0x2e: {  	s3 =	simm.s32 @!p0 $0x1082;
	s9 =	sld [smem:$0x3FB1]  }
0x2f: {  	lr =	sadd.s32 s0, s3;
	s0 =	sld [smem:$0x3FA8]  }
0x30: {  	s3 =	sld [smem:$0x3FAB]  }
0x31: {  	[smem:$0x3FB4] =	sst s10  }
0x32: {  	s10 =	sld [smem:$0x3FB2];
	_ =	sdelay $0x3  }
0x33: {  	p0 =	seq.s32 s10, $0x1;
	s10 =	sld [smem:$0x3FB4];
	_ =	sdelay $0x3  }
0x34: {  	[smem:$0x3FB4] =	sst s10  }
0x35: {  	s10 =	sld [smem:$0x3FB3];
	_ =	sdelay $0x3  }
0x36: {  	p1 =	seq.s32 s10, $0x1;
	s10 =	sld [smem:$0x3FB4];
	_ =	sdelay $0x3  }
0x37: {  	[smem:$0x3FB4] =	sst s10  }
0x38: {  	s10 =	sld [smem:$0x3FB5]  }
0x39: {  	_ = 	snop;
	(pc) =	sbr.ind lr, $3  }
0x3a: {  	_ = 	snop  }
0x3b: {  	_ = 	snop  }
0x3c: {  	p2 =	seq.s32 s10, $0x1;
	s10 =	sld [smem:$0x3FB4]  }
0x3d: {  	_ =	shalt  }
0x3e: {  	_ =	shalt  }
0x3f: {  	_ =	shalt  }
0x40: {  	_ =	shalt  }
0x41: {  	_ =	shalt  }
0x42: {  	_ =	shalt  }
0x43: {  	_ =	shalt  }
0x44: {  	_ =	shalt  }
0x45: {  	_ =	shalt  }
0x46: {  	_ =	shalt  }
0x47: {  	_ =	shalt  }
0x48: {  	_ =	shalt  }
0x49: {  	_ =	shalt  }
0x4a: {  	_ =	shalt  }
0x4b: {  	_ =	shalt  }
0x4c: {  	_ =	shalt  }
0x4d: {  	_ =	shalt  }
0x4e: {  	_ =	shalt  }
0x4f: {  	_ =	shalt  }
0x50: {  	_ =	shalt  }
0x51: {  	_ =	shalt  }
0x52: {  	_ =	shalt  }
0x53: {  	_ =	shalt  }
0x54: {  	_ =	shalt  }
0x55: {  	_ =	shalt  }
0x56: {  	_ =	shalt  }
0x57: {  	_ =	shalt  }
0x58: {  	_ =	shalt  }
0x59: {  	_ =	shalt  }
0x5a: {  	_ =	shalt  }
0x5b: {  	_ =	shalt  }
0x5c: {  	_ =	shalt  }
0x5d: {  	_ =	shalt  }
0x5e: {  	_ =	shalt  }
0x5f: {  	_ =	shalt  }
0x60: {  	_ =	shalt  }
0x61: {  	_ =	shalt  }
0x62: {  	_ =	shalt  }
0x63: {  	_ =	shalt  }
0x64: {  	_ =	shalt  }
0x65: {  	_ =	shalt  }
0x66: {  	_ =	shalt  }
0x67: {  	_ =	shalt  }
0x68: {  	_ =	shalt  }
0x69: {  	_ =	shalt  }
0x6a: {  	_ =	shalt  }
0x6b: {  	_ =	shalt  }
0x6c: {  	_ =	shalt  }
0x6d: {  	_ =	shalt  }
0x6e: {  	_ =	shalt  }
0x6f: {  	_ =	shalt  }
0x70: {  	_ =	shalt  }
0x71: {  	_ =	shalt  }
0x72: {  	_ =	shalt  }
0x73: {  	_ =	shalt  }
0x74: {  	_ =	shalt  }
0x75: {  	_ =	shalt  }
0x76: {  	_ =	shalt  }
0x77: {  	_ =	shalt  }
0x78: {  	_ =	shalt  }
0x79: {  	_ =	shalt  }
0x7a: {  	_ =	shalt  }
0x7b: {  	_ =	shalt  }
0x7c: {  	_ =	shalt  }
0x7d: {  	_ =	shalt  }
0x7e: {  	_ =	shalt  }
0x7f: {  	_ =	shalt  }
0x80: {  	_ =	shalt  }
0x81: {  	_ =	shalt  }
0x82: {  	_ =	shalt  }
0x83: {  	_ =	shalt  }
0x84: {  	_ =	shalt  }
0x85: {  	_ =	shalt  }
0x86: {  	_ =	shalt  }
0x87: {  	_ =	shalt  }
.Lfunc_end0:
.L_simem_size_0:
called_computation_lowered:
.L_overlay_start_0:
0x88: {  	s2 =	sld [smem:$0x3FD9]  }
0x89: {  	s3 =	sld [smem:$0x3FFE];
	_ =	sdelay $0x1  }
0x8a: {  	s1 =	srdreg.scid  }
0x8b: {  	s0 =	sand.u32 $0x1, s1  }
0x8c: {  	s15 =	sshll.u32 s0, $0xA;
	s2 =	sadd.s32 s3, s2  }
0x8d: {  	s3 =	sadd.s32 s2, s15  }
0x8e: {  	[smem:$0x3FC0] =	sst s3  }
0x8f: {  	_ = 	snop  }
0x90: {  	s3 =	sld [smem:$0x3FD0];
	_ =	sdelay $0x2  }
0x91: {  	s4 =	simm.s32 $0xA;
	s5 =	simm.s32 $0x10  }
0x92: {  	[smem:s5], [sflag:s4] =	dma.local [hbm:s3], $0x1  }
0x93: {  	_ =	swait.eq [sflag:s4], $0x1  }
0x94: {  	[sflag:s4] =	ssyncset.done $0x0  }
0x95: {  	s16 =	sld [smem:$0x10];
	[sflag:s4] =	ssyncadd.s32 $0xFFFFFFFF  }
0x96: {  	s17 =	sld [smem:$0x11];
	(tm) =	ssettm $0x1  }
0x97: {  	s18 =	sld [smem:$0x3FFB];
	_ =	sdelay $0x3  }
0x98: {  	_ =	strace s18  }
0x99: {  	s5 =	sld [smem:$0x3FFC];
	_ =	sdelay $0x3  }
0x9a: {  	_ =	strace s5  }
0x9b: {  	s5 =	sld [smem:$0x3FFD];
	_ =	sdelay $0x3  }
0x9c: {  	_ =	strace s5  }
0x9d: {  	_ =	strace $0x8FFFFFFF  }
0x9e: {  	s19 =	sld [smem:$0x3FDB];
	_ =	sdelay $0x1  }
0x9f: {  	s6 =	simm.s32 $_scs_section_size  }
0xa0: {  	s7 =	simm.s32 $_size__tile_overlayer_lowered;
	s8 =	simm.s32 $_tile_overlayer_lowered  }
0xa1: {  	s22 =	simm.s32 $0x1BFF;
	s21 =	sshll.u32 s8, $0x1;
	s5 =	sadd.s32 s6, s19  }
0xa2: {  	s9 =	simm.s32 $0x0;
	s20 =	sshll.u32 s7, $0x1;
	s7 =	sadd.s32 s21, s5  }
0xa3: {  	[timem:s9], [sflag:s22] =	dma.local [hbm:s7], s20  }
0xa4: {  	_ =	swait.ge [sflag:s22], s20  }
0xa5: {  	s6 =	ssub.s32 $0x0, s20;
	[sflag:s22] =	ssyncset.done $0x0  }
0xa6: {  	[sflag:s22] =	ssyncadd.s32 s6;
	_ =	sdelay $0x1  }
0xa7: {  	s23 =	simm.s32 $0x1B8B  }
0xa8: {  	_ =	swait.ge [sflag:s23], $0x1  }
0xa9: {  	[sflag:s23] =	ssyncset.done $0x0  }
0xaa: {  	s25 =	simm.s32 $0x1B8E;
	s24 =	sld [smem:$0x3FFE];
	[sflag:s23] =	ssyncadd.s32 $0xFFFFFFFF  }
0xab: {  	s26 =	simm.s32 $execute0_lowered;
	[smem:$0x3FD2] =	sst s25  }
0xac: {  	s7 =	sshll.u32 s26, $0x1;
	_ =	strace $0x80000046;
	[dreg:$0x1] =	wrdreg $0xFFFFFFFF  }
0xad: {  	s28 =	simm.s32 $_size_execute0_lowered;
	s5 =	sadd.s32 s5, s7;
	[dreg:$0x0] =	wrdreg $0x0  }
0xae: {  	s7 =	sshll.u32 s28, $0x1;
	[dreg:$0x2] =	wrdreg s5  }
0xaf: {  	[dreg:$0x3] =	wrdreg s7  }
0xb0: {  	[dreg:$0x4] =	wrdreg $0xC0  }
0xb1: {  	_ =	task [dreg:s9], $0x5FFFF  }
0xb2: {  	[dreg:$0x1] =	wrdreg $0xFFFFFFFF  }
0xb3: {  	[dreg:$0x0] =	wrdreg $0x60  }
0xb4: {  	[dreg:$0x2] =	wrdreg s17  }
0xb5: {  	[dreg:$0x3] =	wrdreg s16  }
0xb6: {  	[dreg:$0x4] =	wrdreg s24  }
0xb7: {  	s2 =	sadd.s32 $0x800, s2;
	[dreg:$0x5] =	wrdreg $0xBD000  }
0xb8: {  	[dreg:$0x6] =	wrdreg s2  }
0xb9: {  	[dreg:$0x7] =	wrdreg $0x9  }
0xba: {  	_ =	task.clear_ibuf [dreg:s9], $0x8FFFF;
	_ =	strace $0x90000046  }
0xbb: {  	s29 =	simm.s32 $0x9;
	_ =	strace $0x80000048  }
0xbc: {  	_ =	swait.ge [sflag:s29], $0x1  }
0xbd: {  	[sflag:s29] =	ssyncadd.s32 $0xFFFFFFFF  }
0xbe: {  	_ =	strace $0x90000048  }
0xbf: {  	_ =	sfence  }
0xc0: {  	s30 =	sld [smem:$0x0];
	_ =	sdelay $0x2  }
0xc1: {  	s31 =	sshll.u32 s1, $0xD;
	s1 =	sshrl.u32 s1, $0x2  }
0xc2: {  	s3 =	sand.u32 $0x4000, s31;
	s1 =	sadd.s32 s1, s30  }
0xc3: {  	s0 =	sor.u32 s3, s0;
	s1 =	sshll.u32 s1, $0x11  }
0xc4: {  	s0 =	sor.u32 s1, s0  }
0xc5: {  	s0 =	sadd.s32 $0x8F2B, s0  }
0xc6: {  	[sflag:s0] =	ssyncadd.remote.s32 $0x1  }
0xc7: {  	_ =	sfence.sel $0xFFFF  }
0xc8: {  	[dreg:$0x0] =	wrdreg $0xFFFFFFFF;
	(pc) =	sbr.abs _section_cstart, $3  }
0xc9: {  	[dreg:$0x1] =	wrdreg $0xFFFFFFFF  }
0xca: {  	_ =	task.clear_ibuf [dreg:s9], $0x2FFFF;
	_ =	strace $0x9FFFFFFF  }
0xcb: {  	(tm) =	ssettm $0x7FFFFFFF  }
tec
execute0_lowered:
.L_overlay_start_1:
0x0: {  	(tag) =	ssettag $0x1  }
0x1: {  	s1 =	rddreg [dreg:$0x0]  }
0x2: {  	s2 =	rddreg [dreg:$0x1]  }
0x3: {  	s0 =	rddreg [dreg:$0x2]  }
0x4: {  	s3 =	rddreg [dreg:$0x3]  }
0x5: {  	s4 =	rddreg [dreg:$0x4]  }
0x6: {  	s5 =	simm.s32 $0x0;
	s7 =	srdreg.scid;
	s6 =	stileid.u32  }
0x7: {  	s30 =	simm.s32 $0x1000;
	s31 =	simm.s32 $0x4;
	[smem:$0x7FF] =	sst s5  }
0x8: {  	s8 =	sadd.s32 $0xBE00, s0;
	s9 =	sadd.s32 $0x1E00, s0;
	s10 =	sadd.s32 $0x1FE00, s0  }
0x9: {  	s11 =	sadd.s32 $0x15E00, s0;
	s12 =	sadd.s32 $0x52400, s0;
	s13 =	sadd.s32 $0x7A400, s0  }
0xa: {  	s14 =	sand.u32 $0x1, s7;
	s28 =	smul.u32 $0x50000, s6;
	s15 =	sadd.s32 $0x29E00, s0  }
0xb: {  	s17 =	smul.u32 $0xA00, s6;
	s0 =	sadd.s32 $0x51E00, s0;
	s20 =	sshrl.u32 s6, $0x3  }
0xc: {  	s22 =	sshll.u32 s6, $0x7;
	_ =	strace $0x80000047;
	s16 =	ssub.s32 $0x2, s14  }
0xd: {  	s19 =	smul.u32 $0x28000, s14;
	p0 =	seq.s32 s14, $0x0;
	s18 =	sshrl.u32 s16, $0x1  }
0xe: {  	s7 =	sshrl.u32 s28, $0x2;
	s29 =	sor.u32 $0x80, s17;
	s24 =	sadd.s32 s11, s17  }
0xf: {  	s26 =	sadd.s32 s8, s17;
	s28 =	smul.u32 $0x1400, s6;
	s15 =	smov.u32 @p0 s12  }
0x10: {  	s0 =	smov.u32 @p0 s13;
	s23 =	ssub.s32 s16, s18;
	[dreg:$0x7] =	wrdreg s24  }
0x11: {  	s18 =	sadd.s32 s10, s17;
	s10 =	sadd.s32 s10, s29;
	[dreg:$0xa] =	wrdreg s26  }
0x12: {  	p0 =	sne.s32 s14, $0x0;
	s11 =	sadd.s32 s11, s29;
	[dreg:$0x8] =	wrdreg s10  }
0x13: {  	s14 =	simm.s32 $0x9000;
	s8 =	sadd.s32 s8, s29;
	[dreg:$0x9] =	wrdreg s11  }
0x14: {  	s7 =	sadd.s32 s7, s3;
	s21 =	sadd.s32 s9, s29;
	[dreg:$0xc] =	wrdreg s8  }
0x15: {  	s17 =	sadd.s32 s9, s17;
	s29 =	smul.u32 $0x2800, s6;
	[dreg:$0xd] =	wrdreg s21  }
0x16: {  	s24 =	sadd.s32 $0x80, s24;
	s9 =	simm.s32 $0x2;
	[dreg:$0x6] =	wrdreg s18  }
0x17: {  	s11 =	smul.u32 $0x14000, s20;
	s8 =	sand.u32 $0x380, s22;
	[dreg:$0x11] =	wrdreg s24  }
0x18: {  	s16 =	sadd.s32 s19, s28;
	s12 =	sadd.s32 $0x4000, s7;
	[dreg:$0xb] =	wrdreg s17  }
0x19: {  	s13 =	sadd.s32 $0x8000, s7;
	s20 =	sadd.s32 $0xC000, s7;
	[dreg:$0xe] =	wrdreg s12  }
0x1a: {  	s22 =	sadd.s32 $0x10000, s7;
	s18 =	sadd.s32 $0x80, s18;
	[dreg:$0xf] =	wrdreg s13  }
0x1b: {  	s23 =	smax.u32 s23, $0x1;
	s28 =	sadd.s32 $0x80, s26;
	[dreg:$0x10] =	wrdreg s18  }
0x1c: {  	s10 =	simm.s32 $0x400;
	[dreg:$0x12] =	wrdreg s28;
	s25 =	sadd.s32 s19, s11  }
0x1d: {  	s11 =	smul.u32 $0x50, s6;
	s19 =	sadd.s32 s15, s29;
	s29 =	sadd.s32 $0x80, s17  }
0x1e: {  	s12 =	simm.s32 $0x0;
	s8 =	sor.u32 s8, s25;
	[dreg:$0x13] =	wrdreg s29  }
0x1f: {  	s21 =	sadd.s32 s0, s11;
	s15 =	sshrl.u32 s8, $0x3;
	s8 =	simm.s32 $0x80  }
0x20: {  	v0 =	vimm.f32 $0.0e+00;
	v1 =	vimm.f32 $1.000000000e+00;
	s0 =	simm.s32 $0xB800;
	s25 =	sadd.s32 s15, s4;
	s15 =	simm.s32 $0x1  }
.LBB2_1:
0x21: {  	s11 =	simm.s32 $0x0;
	s13 =	simm.s32 $0x200  }
.LBB2_2:
0x22: {  	p1 =	sne.s32 s13, $0xFE00;
	[tilespmem:s11+$0x1070] =	vst v0  }
0x23: {  	[tilespmem:s11+$0x1000] =	vst v0  }
0x24: {  	[tilespmem:s11+$0x1010] =	vst v0  }
.Ltmp0:
0x25: {  	[tilespmem:s11+$0x1020] =	vst v0;
	(pc) =	sbr.rel @p1 .LBB2_2-.Ltmp0, $4  }
0x26: {  	[tilespmem:s11+$0x1030] =	vst v0  }
0x27: {  	[tilespmem:s11+$0x1040] =	vst v0  }
0x28: {  	[tilespmem:s11+$0x1050] =	vst v0  }
0x29: {  	[tilespmem:s11+$0x1060] =	vst v0;
	s11 =	sshra.s32 s13, $0x2;
	s13 =	sadd.s32 $0x200, s13  }
0x2a: {  	[tilespmem:s11+$0x1070] =	vst v0  }
0x2b: {  	[tilespmem:s11+$0x1000] =	vst v0  }
0x2c: {  	[tilespmem:s11+$0x1010] =	vst v0  }
0x2d: {  	[tilespmem:s11+$0x1020] =	vst v0  }
0x2e: {  	[tilespmem:s11+$0x1030] =	vst v0  }
0x2f: {  	[tilespmem:s11+$0x1040] =	vst v0  }
0x30: {  	[tilespmem:s11+$0x1050] =	vst v0  }
0x31: {  	[tilespmem:s11+$0x1060] =	vst v0;
	s11 =	simm.s32 $0x40;
	s13 =	simm.s32 $0x0  }
.LBB2_4:
0x32: {  	p1 =	sne.s32 s11, $0x9FC0;
	[tilespmem:s13+$0x9000] =	vst v0;
	s13 =	smov.u32 s11;
	s11 =	sadd.s32 $0x40, s11  }
.Ltmp1:
0x33: {  	(pc) =	sbr.rel @p1 .LBB2_4-.Ltmp1, $2  }
0x34: {  	_ =	sdelay $0x2  }
0x35: {  	s13 =	sshra.s32 s13, $0x2  }
0x36: {  	[tilespmem:s13+$0x9000] =	vst v0  }
0x37: {  	[spmem:s7] =	stream.linear.scatter [tilespmem:s30], [sflag:$0x4], $0x4000, $0x38;
	[tilespmem:$0x1FD00] =	vst v63  }
0x38: {  	_ =	swait.ge [sflag:s31], $0x4000  }
0x39: {  	[sflag:s31] =	ssyncset.done $0x0  }
0x3a: {  	s6 =	rddreg [dreg:$0xe];
	[sflag:s31] =	ssyncadd.s32 $0xFFFFC000  }
0x3b: {  	[spmem:s6] =	stream.linear.scatter [tilespmem:s30], [sflag:$0x4], $0x4000, $0x38;
	[tilespmem:$0x1FD00] =	vst v63  }
0x3c: {  	_ =	swait.ge [sflag:s31], $0x4000  }
0x3d: {  	[sflag:s31] =	ssyncset.done $0x0  }
0x3e: {  	s29 =	rddreg [dreg:$0xf];
	[sflag:s31] =	ssyncadd.s32 $0xFFFFC000  }
0x3f: {  	[spmem:s29] =	stream.linear.scatter [tilespmem:s30], [sflag:$0x4], $0x4000, $0x38;
	[tilespmem:$0x1FD00] =	vst v63  }
0x40: {  	_ =	swait.ge [sflag:s31], $0x4000  }
0x41: {  	[sflag:s31] =	ssyncset.done $0x0  }
0x42: {  	[sflag:s31] =	ssyncadd.s32 $0xFFFFC000  }
0x43: {  	[spmem:s20] =	stream.linear.scatter [tilespmem:s30], [sflag:$0x4], $0x4000, $0x38;
	[tilespmem:$0x1FD00] =	vst v63  }
0x44: {  	_ =	swait.ge [sflag:s31], $0x4000  }
0x45: {  	[sflag:s31] =	ssyncset.done $0x0  }
0x46: {  	[sflag:s31] =	ssyncadd.s32 $0xFFFFC000  }
0x47: {  	[spmem:s22] =	stream.linear.scatter [tilespmem:s30], [sflag:$0x4], $0x4000, $0x38;
	[tilespmem:$0x1FD00] =	vst v63  }
.Ltmp2:
0x48: {  	_ =	swait.ge [sflag:s31], $0x4000;
	(pc) =	sbr.rel @p0 .LBB2_8-.Ltmp2, $3  }
0x49: {  	[sflag:s31] =	ssyncset.done $0x0  }
0x4a: {  	[sflag:s31] =	ssyncadd.s32 $0xFFFFC000  }
0x4b: {  	[bflag:$0x0] =	sbarrier.arrive $0xFFFF;
	_ =	sdelay $0x1  }
0x4c: {  	s6 =	rddreg [dreg:$0xa]  }
0x4d: {  	[tilespmem:s5], [sflag:$0x4] =	stream.linear.gather [hbm4b:s6+s5], $0x400, $0x38;
	[tilespmem:$0x1FD00] =	vst v63  }
0x4e: {  	_ =	swait.ge [sflag:s31], $0x400  }
0x4f: {  	[sflag:s31] =	ssyncset.done $0x0  }
0x50: {  	s11 =	simm.s32 $0x800;
	s17 =	rddreg [dreg:$0xb];
	[sflag:s31] =	ssyncadd.s32 $0xFFFFFC00  }
0x51: {  	[tilespmem:s11], [sflag:$0x4] =	stream.linear.gather [hbm4b:s17+s5], $0x400, $0x38;
	[tilespmem:$0x1FD00] =	vst v63  }
0x52: {  	_ =	swait.ge [sflag:s31], $0x400  }
0x53: {  	[sflag:s31] =	ssyncset.done $0x0;
	s18 =	rddreg [dreg:$0xc]  }
0x54: {  	s24 =	rddreg [dreg:$0xd];
	[sflag:s31] =	ssyncadd.s32 $0xFFFFFC00  }
0x55: {  	[tilespmem:s10], [sflag:$0x3] =	stream.linear.gather [hbm4b:s18+s5], $0x400, $0x38;
	[tilespmem:$0x1FD00] =	vst v63  }
0x56: {  	s26 =	simm.s32 $0xC00;
	s13 =	simm.s32 $0x80;
	s29 =	rddreg [dreg:$0x13]  }
0x57: {  	[tilespmem:s26], [sflag:$0x3] =	stream.linear.gather [hbm4b:s24+s5], $0x400, $0x38;
	[tilespmem:$0x1FD00] =	vst v63  }
0x58: {  	s11 =	simm.s32 $0x1;
	s28 =	rddreg [dreg:$0x12];
	s24 =	simm.s32 $0x4000  }
0x59: {  	[tilespmem:s30], [sflag:$0x1] =	stream.indirect.gather [hbm4b:s1+s13], $0x80, s5, s13, $0xb8;
	[tilespmem:$0x1FD00] =	vst v63  }
.LBB2_7:
0x5a: {  	s26 =	sadd.s32 $0xFFFFFFFF, s11  }
0x5b: {  	s6 =	sand.u32 $0x7, s26  }
0x5c: {  	p1 =	sne.s32 s6, $0x0  }
0x5d: {  	p2 =	sgt.u32 @!p1 s26, $0x97  }
0x5e: {  	s26 =	sshrl.u32 s26, $0x3;
	p3 =	por p2, p1  }
0x5f: {  	p3 =	seq.s32 @!p3 s26, $0x0  }
0x60: {  	p2 =	por @!p1 p3, p2  }
0x61: {  	s26 =	sand.u32 $0x1, s26;
	p1 =	por p2, p1  }
0x62: {  	s17 =	sshll.u32 @!p1 s26, $0xA  }
0x63: {  	s18 =	simm.s32 @!p1 $0x0;
	s17 =	sxor.u32 @!p1 $0x400, s17  }
0x64: {  	[tilespmem:s17], [sflag:$0x3] =	stream.linear.gather @!p1 [hbm4b:s28+s18], $0x400, $0x38;
	[tilespmem:$0x1FD00] =	vst v63  }
0x65: {  	s17 =	sor.u32 @!p1 $0x800, s17  }
0x66: {  	[tilespmem:s17], [sflag:$0x3] =	stream.linear.gather @!p1 [hbm4b:s29+s18], $0x400, $0x38;
	[tilespmem:$0x1FD00] =	vst v63  }
0x67: {  	s6 =	sshll.u32 s6, $0x7;
	s18 =	sshll.u32 s26, $0xA  }
0x68: {  	s6 =	sor.u32 s6, s18  }
0x69: {  	v2 =	vld [tilespmem:s6+$0x800];
	_ =	sdelay $0x7  }
0x6a: {  	[tilespmem:v2+s14+$0x0] =	vst.idx.add.f32.msk $0xffff, v1  }
0x6b: {  	v2 =	vld [tilespmem:s6+$0x810];
	_ =	sdelay $0x7  }
0x6c: {  	[tilespmem:v2+s14+$0x0] =	vst.idx.add.f32.msk $0xffff, v1  }
0x6d: {  	v2 =	vld [tilespmem:s6+$0x820];
	_ =	sdelay $0x7  }
0x6e: {  	[tilespmem:v2+s14+$0x0] =	vst.idx.add.f32.msk $0xffff, v1  }
0x6f: {  	v2 =	vld [tilespmem:s6+$0x830];
	_ =	sdelay $0x7  }
0x70: {  	[tilespmem:v2+s14+$0x0] =	vst.idx.add.f32.msk $0xffff, v1  }
0x71: {  	v2 =	vld [tilespmem:s6+$0x840];
	_ =	sdelay $0x7  }
0x72: {  	[tilespmem:v2+s14+$0x0] =	vst.idx.add.f32.msk $0xffff, v1  }
0x73: {  	v2 =	vld [tilespmem:s6+$0x850];
	_ =	sdelay $0x7  }
0x74: {  	[tilespmem:v2+s14+$0x0] =	vst.idx.add.f32.msk $0xffff, v1  }
0x75: {  	v2 =	vld [tilespmem:s6+$0x860];
	_ =	sdelay $0x7  }
0x76: {  	[tilespmem:v2+s14+$0x0] =	vst.idx.add.f32.msk $0xffff, v1  }
0x77: {  	v2 =	vld [tilespmem:s6+$0x870];
	_ =	sdelay $0x7  }
0x78: {  	[tilespmem:v2+s14+$0x0] =	vst.idx.add.f32.msk $0xffff, v1  }
0x79: {  	s26 =	sadd.s32 $0xFFFFC000, s24;
	_ =	swait.ge [sflag:s15], $0x4000  }
0x7a: {  	p1 =	seq.s32 s24, $0x280000;
	s17 =	sand.u32 $0x4000, s26;
	[sflag:s15] =	ssyncset.done $0x0  }
0x7b: {  	s17 =	sor.u32 $0x1000, s17;
	s6 =	sor.u32 $0x800, s6;
	[sflag:s15] =	ssyncadd.s32 $0xFFFFC000  }
0x7c: {  	[spmem:s3] =	stream.indirect.scatter.add.f32 [tilespmem:s17], [sflag:$0x2], $0x80, s6, s8, $0xb8;
	[tilespmem:$0x1FD00] =	vst v63  }
0x7d: {  	s6 =	sand.u32 @!p1 $0x7, s11  }
0x7e: {  	p2 =	sne.s32 @!p1 s6, $0x0  }
0x7f: {  	p2 =	por p2, p1  }
0x80: {  	s6 =	simm.s32 @!p2 $0x3  }
0x81: {  	_ =	swait.ge @!p2 [sflag:s6], $0x400  }
0x82: {  	[sflag:s6] =	ssyncset.done @!p2 $0x0  }
0x83: {  	[sflag:s6] =	ssyncadd.s32 @!p2 $0xFFFFFC00  }
0x84: {  	_ =	swait.ge @!p2 [sflag:s6], $0x400  }
0x85: {  	[sflag:s6] =	ssyncset.done @!p2 $0x0  }
0x86: {  	s18 =	simm.s32 @!p1 $0x80;
	[sflag:s6] =	ssyncadd.s32 @!p2 $0xFFFFFC00;
	s6 =	sand.u32 @!p1 $0x4000, s24  }
0x87: {  	s17 =	sand.u32 @!p1 $0x780, s13;
	s24 =	sadd.s32 $0x4000, s24;
	s6 =	sor.u32 @!p1 $0x1000, s6  }
0x88: {  	[tilespmem:s6], [sflag:$0x1] =	stream.indirect.gather @!p1 [hbm4b:s1+s18], $0x80, s17, s18, $0xb8;
	[tilespmem:$0x1FD00] =	vst v63  }
0x89: {  	p1 =	seq.s32 s24, $0x284000  }
.Ltmp3:
0x8a: {  	_ = 	snop;
	(pc) =	sbr.rel @!p1 .LBB2_7-.Ltmp3, $4  }
0x8b: {  	_ = 	snop  }
0x8c: {  	_ =	swait.ge [sflag:s9], $0x4000  }
0x8d: {  	s28 =	sadd.s32 $0x10, s28;
	s29 =	sadd.s32 $0x10, s29;
	[sflag:s9] =	ssyncset.done $0x0  }
0x8e: {  	s11 =	sadd.s32 $0x1, s11;
	s13 =	sadd.s32 $0x80, s13;
	[sflag:s9] =	ssyncadd.s32 $0xFFFFC000  }
.Ltmp4:
0x8f: {  	_ = 	snop;
	(pc) =	sbr.rel .LBB2_10-.Ltmp4, $1  }
0x90: {  	_ =	sdelay $0x3  }
.LBB2_8:
0x91: {  	s6 =	rddreg [dreg:$0x6]  }
0x92: {  	[tilespmem:s5], [sflag:$0x4] =	stream.linear.gather [hbm4b:s6+s5], $0x400, $0x38;
	[tilespmem:$0x1FD00] =	vst v63  }
0x93: {  	_ =	swait.ge [sflag:s31], $0x400  }
0x94: {  	[sflag:s31] =	ssyncset.done $0x0  }
0x95: {  	s11 =	simm.s32 $0x800;
	s17 =	rddreg [dreg:$0x7];
	[sflag:s31] =	ssyncadd.s32 $0xFFFFFC00  }
0x96: {  	[tilespmem:s11], [sflag:$0x4] =	stream.linear.gather [hbm4b:s17+s5], $0x400, $0x38;
	[tilespmem:$0x1FD00] =	vst v63  }
0x97: {  	_ =	swait.ge [sflag:s31], $0x400  }
0x98: {  	[sflag:s31] =	ssyncset.done $0x0;
	s18 =	rddreg [dreg:$0x8]  }
0x99: {  	s24 =	rddreg [dreg:$0x9];
	[sflag:s31] =	ssyncadd.s32 $0xFFFFFC00  }
0x9a: {  	[tilespmem:s10], [sflag:$0x3] =	stream.linear.gather [hbm4b:s18+s5], $0x400, $0x38;
	[tilespmem:$0x1FD00] =	vst v63  }
0x9b: {  	s26 =	simm.s32 $0xC00;
	s13 =	simm.s32 $0x80;
	s29 =	rddreg [dreg:$0x11]  }
0x9c: {  	[tilespmem:s26], [sflag:$0x3] =	stream.linear.gather [hbm4b:s24+s5], $0x400, $0x38;
	[tilespmem:$0x1FD00] =	vst v63  }
0x9d: {  	s11 =	simm.s32 $0x1;
	s28 =	rddreg [dreg:$0x10];
	s24 =	simm.s32 $0x4000  }
0x9e: {  	[tilespmem:s30], [sflag:$0x1] =	stream.indirect.gather [hbm4b:s2+s13], $0x80, s5, s13, $0xb8;
	[tilespmem:$0x1FD00] =	vst v63  }
.LBB2_9:
0x9f: {  	s6 =	sadd.s32 $0xFFFFFFFF, s11  }
0xa0: {  	s17 =	sand.u32 $0x7, s6  }
0xa1: {  	p1 =	sne.s32 s17, $0x0  }
0xa2: {  	p2 =	sgt.u32 @!p1 s6, $0x97  }
0xa3: {  	s6 =	sshrl.u32 s6, $0x3;
	p3 =	por p2, p1  }
0xa4: {  	p3 =	seq.s32 @!p3 s6, $0x0  }
0xa5: {  	p2 =	por @!p1 p3, p2  }
0xa6: {  	s6 =	sand.u32 $0x1, s6;
	p1 =	por p2, p1  }
0xa7: {  	s17 =	sshll.u32 s17, $0x7;
	s18 =	sshll.u32 @!p1 s6, $0xA  }
0xa8: {  	s26 =	simm.s32 @!p1 $0x0;
	s6 =	sshll.u32 s6, $0xA;
	s18 =	sxor.u32 @!p1 $0x400, s18  }
0xa9: {  	[tilespmem:s18], [sflag:$0x3] =	stream.linear.gather @!p1 [hbm4b:s28+s26], $0x400, $0x38;
	[tilespmem:$0x1FD00] =	vst v63  }
0xaa: {  	s6 =	sor.u32 s17, s6;
	s18 =	sor.u32 @!p1 $0x800, s18  }
0xab: {  	[tilespmem:s18], [sflag:$0x3] =	stream.linear.gather @!p1 [hbm4b:s29+s26], $0x400, $0x38;
	[tilespmem:$0x1FD00] =	vst v63  }
0xac: {  	v2 =	vld [tilespmem:s6+$0x800];
	_ =	sdelay $0x7  }
0xad: {  	[tilespmem:v2+s14+$0x0] =	vst.idx.add.f32.msk $0xffff, v1  }
0xae: {  	v2 =	vld [tilespmem:s6+$0x810];
	_ =	sdelay $0x7  }
0xaf: {  	[tilespmem:v2+s14+$0x0] =	vst.idx.add.f32.msk $0xffff, v1  }
0xb0: {  	v2 =	vld [tilespmem:s6+$0x820];
	_ =	sdelay $0x7  }
0xb1: {  	[tilespmem:v2+s14+$0x0] =	vst.idx.add.f32.msk $0xffff, v1  }
0xb2: {  	v2 =	vld [tilespmem:s6+$0x830];
	_ =	sdelay $0x7  }
0xb3: {  	[tilespmem:v2+s14+$0x0] =	vst.idx.add.f32.msk $0xffff, v1  }
0xb4: {  	v2 =	vld [tilespmem:s6+$0x840];
	_ =	sdelay $0x7  }
0xb5: {  	[tilespmem:v2+s14+$0x0] =	vst.idx.add.f32.msk $0xffff, v1  }
0xb6: {  	v2 =	vld [tilespmem:s6+$0x850];
	_ =	sdelay $0x7  }
0xb7: {  	[tilespmem:v2+s14+$0x0] =	vst.idx.add.f32.msk $0xffff, v1  }
0xb8: {  	v2 =	vld [tilespmem:s6+$0x860];
	_ =	sdelay $0x7  }
0xb9: {  	[tilespmem:v2+s14+$0x0] =	vst.idx.add.f32.msk $0xffff, v1  }
0xba: {  	v2 =	vld [tilespmem:s6+$0x870];
	_ =	sdelay $0x7  }
0xbb: {  	[tilespmem:v2+s14+$0x0] =	vst.idx.add.f32.msk $0xffff, v1  }
0xbc: {  	s26 =	sadd.s32 $0xFFFFC000, s24;
	_ =	swait.ge [sflag:s15], $0x4000  }
0xbd: {  	p1 =	seq.s32 s24, $0x280000;
	s17 =	sand.u32 $0x4000, s26;
	[sflag:s15] =	ssyncset.done $0x0  }
0xbe: {  	s17 =	sor.u32 $0x1000, s17;
	s6 =	sor.u32 $0x800, s6;
	[sflag:s15] =	ssyncadd.s32 $0xFFFFC000  }
0xbf: {  	[spmem:s3] =	stream.indirect.scatter.add.f32 [tilespmem:s17], [sflag:$0x2], $0x80, s6, s8, $0xb8;
	[tilespmem:$0x1FD00] =	vst v63  }
0xc0: {  	s6 =	sand.u32 @!p1 $0x7, s11  }
0xc1: {  	p2 =	sne.s32 @!p1 s6, $0x0  }
0xc2: {  	p2 =	por p2, p1  }
0xc3: {  	s6 =	simm.s32 @!p2 $0x3  }
0xc4: {  	_ =	swait.ge @!p2 [sflag:s6], $0x400  }
0xc5: {  	[sflag:s6] =	ssyncset.done @!p2 $0x0  }
0xc6: {  	[sflag:s6] =	ssyncadd.s32 @!p2 $0xFFFFFC00  }
0xc7: {  	_ =	swait.ge @!p2 [sflag:s6], $0x400  }
0xc8: {  	[sflag:s6] =	ssyncset.done @!p2 $0x0  }
0xc9: {  	s18 =	simm.s32 @!p1 $0x80;
	[sflag:s6] =	ssyncadd.s32 @!p2 $0xFFFFFC00;
	s6 =	sand.u32 @!p1 $0x4000, s24  }
0xca: {  	s17 =	sand.u32 @!p1 $0x780, s13;
	s24 =	sadd.s32 $0x4000, s24;
	s6 =	sor.u32 @!p1 $0x1000, s6  }
0xcb: {  	[tilespmem:s6], [sflag:$0x1] =	stream.indirect.gather @!p1 [hbm4b:s2+s18], $0x80, s17, s18, $0xb8;
	[tilespmem:$0x1FD00] =	vst v63  }
0xcc: {  	p1 =	sne.s32 s24, $0x284000  }
.Ltmp5:
0xcd: {  	_ = 	snop;
	(pc) =	sbr.rel @p1 .LBB2_9-.Ltmp5, $4  }
0xce: {  	_ = 	snop  }
0xcf: {  	_ =	swait.ge [sflag:s9], $0x4000  }
0xd0: {  	s28 =	sadd.s32 $0x10, s28;
	s29 =	sadd.s32 $0x10, s29;
	[sflag:s9] =	ssyncset.done $0x0  }
0xd1: {  	s11 =	sadd.s32 $0x1, s11;
	s13 =	sadd.s32 $0x80, s13;
	[sflag:s9] =	ssyncadd.s32 $0xFFFFC000  }
.LBB2_10:
0xd2: {  	[hbm4b:s25+s8] =	stream.strided.scatter [tilespmem:s14], [sflag:$0x4], $0x2800, s10, s8, $0x38;
	[tilespmem:$0x1FD00] =	vst v63  }
0xd3: {  	_ =	swait.ge [sflag:s31], $0x2800  }
0xd4: {  	[sflag:s31] =	ssyncset.done $0x0  }
0xd5: {  	[sflag:s31] =	ssyncadd.s32 $0xFFFFD800  }
0xd6: {  	[bflag:$0x0] =	sbarrier.arrive $0xFFFF  }
0xd7: {  	[tilespmem:$0xBA80] =	vst v0  }
0xd8: {  	[tilespmem:$0xBA90] =	vst v0  }
0xd9: {  	[tilespmem:$0xBAA0] =	vst v0  }
0xda: {  	[tilespmem:$0xBAB0] =	vst v0  }
0xdb: {  	[tilespmem:$0xBAC0] =	vst v0  }
0xdc: {  	[tilespmem:$0xBAD0] =	vst v0  }
0xdd: {  	[tilespmem:$0xBAE0] =	vst v0  }
0xde: {  	[tilespmem:$0xBAF0] =	vst v0  }
0xdf: {  	[tilespmem:$0xBB00] =	vst v0  }
0xe0: {  	[tilespmem:$0xBB10] =	vst v0  }
0xe1: {  	[tilespmem:$0xBB20] =	vst v0  }
0xe2: {  	[tilespmem:$0xBB30] =	vst v0  }
0xe3: {  	[tilespmem:$0xBB40] =	vst v0  }
0xe4: {  	[tilespmem:$0xBB50] =	vst v0  }
0xe5: {  	[tilespmem:$0xBB60] =	vst v0  }
0xe6: {  	[tilespmem:$0xBB70] =	vst v0  }
0xe7: {  	[tilespmem:$0xBB80] =	vst v0  }
0xe8: {  	[tilespmem:$0xBB90] =	vst v0  }
0xe9: {  	[tilespmem:$0xBBA0] =	vst v0  }
0xea: {  	[tilespmem:$0xBBB0] =	vst v0  }
0xeb: {  	[tilespmem:$0xBBC0] =	vst v0  }
0xec: {  	[tilespmem:$0xBBD0] =	vst v0  }
0xed: {  	[tilespmem:$0xBBE0] =	vst v0  }
0xee: {  	[tilespmem:$0xBBF0] =	vst v0  }
0xef: {  	[tilespmem:$0xBC00] =	vst v0  }
0xf0: {  	[tilespmem:$0xBC10] =	vst v0  }
0xf1: {  	[tilespmem:$0xBC20] =	vst v0  }
0xf2: {  	[tilespmem:$0xBC30] =	vst v0  }
0xf3: {  	[tilespmem:$0xBC40] =	vst v0  }
0xf4: {  	[tilespmem:$0xBC50] =	vst v0  }
0xf5: {  	[tilespmem:$0xBC60] =	vst v0  }
0xf6: {  	[tilespmem:$0xBC70] =	vst v0  }
0xf7: {  	[tilespmem:$0xBC80] =	vst v0  }
0xf8: {  	[tilespmem:$0xBC90] =	vst v0  }
0xf9: {  	[tilespmem:$0xBCA0] =	vst v0  }
0xfa: {  	[tilespmem:$0xBCB0] =	vst v0  }
0xfb: {  	[tilespmem:$0xBCC0] =	vst v0  }
0xfc: {  	[tilespmem:$0xBCD0] =	vst v0  }
0xfd: {  	[tilespmem:$0xBCE0] =	vst v0  }
0xfe: {  	s11 =	simm.s32 $0x0;
	[tilespmem:$0xBCF0] =	vst v0  }
.LBB2_11:
0xff: {  	s6 =	sshrl.u32 s11, $0x3  }
0x100: {  	s6 =	smul.u32 $0x14000, s6  }
0x101: {  	s13 =	sshll.u32 s11, $0x7  }
0x102: {  	s13 =	sand.u32 $0x380, s13;
	s6 =	sadd.s32 s6, s16  }
0x103: {  	s6 =	sor.u32 s13, s6  }
0x104: {  	s6 =	sshrl.u32 s6, $0x3  }
0x105: {  	s6 =	sadd.s32 s4, s6  }
0x106: {  	[tilespmem:s0], [sflag:$0x4] =	stream.strided.gather [hbm4b:s6+s8], $0x280, s10, s8, $0x38;
	[tilespmem:$0x1FD00] =	vst v63  }
0x107: {  	_ =	swait.ge [sflag:s31], $0x280  }
0x108: {  	[sflag:s31] =	ssyncset.done $0x0  }
0x109: {  	s13 =	simm.s32 $0x0;
	[sflag:s31] =	ssyncadd.s32 $0xFFFFFD80  }
0x10a: {  	s24 =	simm.s32 $0x40;
	v2 =	vld [tilespmem:s13+$0xB800]  }
.LBB2_12:
0x10b: {  	p1 =	sne.s32 s24, $0x9C0;
	v3 =	vld [tilespmem:s13+$0xBA80];
	_ =	sdelay $0x2  }
.Ltmp6:
0x10c: {  	(pc) =	sbr.rel @p1 .LBB2_12-.Ltmp6, $4  }
0x10d: {  	_ = 	snop  }
0x10e: {  	v3 =	vadd.f32 v2, v3  }
0x10f: {  	s6 =	sshra.s32 s24, $0x2  }
0x110: {  	s24 =	sadd.s32 $0x40, s24;
	v2 =	vld [tilespmem:s6+$0xB800];
	[tilespmem:s13+$0xBA80] =	vst v3;
	s13 =	smov.u32 s6  }
0x111: {  	v3 =	vld [tilespmem:s13+$0xBA80]  }
0x112: {  	s11 =	sadd.s32 $0x1, s11  }
0x113: {  	p1 =	sne.s32 s11, $0x10  }
.Ltmp7:
0x114: {  	_ = 	snop;
	(pc) =	sbr.rel @p1 .LBB2_11-.Ltmp7, $3  }
0x115: {  	_ = 	snop  }
0x116: {  	v2 =	vadd.f32 v2, v3;
	_ =	sdelay $0x1  }
0x117: {  	[tilespmem:s13+$0xBA80] =	vst v2  }
0x118: {  	s6 =	stileid.u32  }
0x119: {  	s6 =	sshll.u32 s6, $0x6  }
0x11a: {  	s11 =	sshrl.u32 s7, $0x3;
	s6 =	sor.u32 $0x1C04, s6  }
0x11b: {  	[hbm:s19], [sflag:s6] =	dma.local [spmem:s11], $0x2800  }
0x11c: {  	s12 =	sadd.s32 $0x1, s12;
	_ =	swait.ge [sflag:s31], $0x2800  }
0x11d: {  	p1 =	sne.s32 s12, s23;
	[sflag:s31] =	ssyncset.done $0x0  }
.Ltmp8:
0x11e: {  	s29 =	simm.s32 $0xBA80;
	[sflag:s31] =	ssyncadd.s32 $0xFFFFD800;
	(pc) =	sbr.rel @p1 .LBB2_1-.Ltmp8, $4  }
0x11f: {  	[hbm4b:s21+s5] =	stream.linear.scatter [tilespmem:s29], [sflag:$0x4], $0x280, $0x38;
	[tilespmem:$0x1FD00] =	vst v63  }
0x120: {  	_ =	swait.ge [sflag:s31], $0x280  }
0x121: {  	[sflag:s31] =	ssyncset.done $0x0  }
0x122: {  	[sflag:s31] =	ssyncadd.s32 $0xFFFFFD80  }
0x123: {  	_ =	sfence.sel $0x180000  }
0x124: {  	[bflag:$0x0] =	sbarrier.arrive $0xFFFF  }
0x125: {  	_ =	strace $0x90000047  }
0x126: {  	s0 =	stileid.u32;
	[bflag:$0x2] =	sbarrier.arrive $0xFFFF  }
0x127: {  	p0 =	sne.s32 s0, $0x0;
	s0 =	rddreg [dreg:$0x5]  }
0x128: {  	s0 =	sadd.s32 @!p0 $0x100000, s0  }
0x129: {  	[sflag:s0] =	ssyncadd.tile.s32 @!p0 $0x1;
	_ =	shalt  }
.Lfunc_end2:
_tile_overlayer_lowered:
.L_overlay_start_2:
0x12a: {  	(tag) =	ssettag $0x2  }
0x12b: {  	s0 =	rddreg [dreg:$0x0];
	s2 =	stileid.u32  }
0x12c: {  	s1 =	rddreg [dreg:$0x1];
	p0 =	sne.s32 s2, $0x0  }
0x12d: {  	s3 =	rddreg [dreg:$0x2];
	[bflag:$0x3] =	sbarrier.arrive $0xFFFF;
	s2 =	simm.s32 @!p0 $0x1C04  }
0x12e: {  	[timem:s3], [sflag:s2] =	dma.local @!p0 [hbm:s0], s1  }
0x12f: {  	s0 =	simm.s32 @!p0 $0x4  }
0x130: {  	_ =	swait.ge @!p0 [sflag:s0], s1  }
0x131: {  	s1 =	ssub.s32 @!p0 $0x0, s1;
	[sflag:s0] =	ssyncset.done @!p0 $0x0  }
0x132: {  	[sflag:s0] =	ssyncadd.s32 @!p0 s1  }
0x133: {  	[bflag:$0x3] =	sbarrier.arrive $0xFFFF  }
0x134: {  	_ =	shalt  }

</sc_bundles>
